<compile_context>
chip_gen: v7x
topology: tpu7x:2x2x1
jax: 0.10.2.dev20260603
libtpu: 0.0.44.dev20260713+nightly
codegen_flags: <defaults>
</compile_context>

<pallas_src>
import functools

import jax
import jax.numpy as jnp
from jax import lax
from jax.experimental import pallas as pl
from jax.experimental.pallas import tpu as pltpu
from jax.experimental.pallas import tpu_sc as plsc

NC = 2
NS = 16
NT = NC * NS
CHUNK = 10000


def _cdiv(a, b):
    return (a + b - 1) // b


def _split_body(ei_ref, srcf_ref, dstf_ref):
    srcf_ref[...] = ei_ref[0]
    dstf_ref[...] = ei_ref[1]


def _make_hist_kernel(NP, SL, EPT):
    mesh = plsc.VectorSubcoreMesh(
        core_axis_name="c", subcore_axis_name="s", num_cores=NC,
        num_subcores=NS)
    f32 = jnp.float32

    @functools.partial(
        pl.kernel,
        out_type=jax.ShapeDtypeStruct((NC, NP), f32),
        mesh=mesh,
        scratch_types=[
            pltpu.VMEM((CHUNK,), jnp.int32),
            pltpu.VMEM((CHUNK,), jnp.int32),
            pltpu.VMEM((CHUNK,), f32),
            pltpu.VMEM((SL,), f32),
            pltpu.VMEM_SHARED((NP,), f32),
        ] + [pltpu.SemaphoreType.DMA] * 4,
    )
    def hist_kernel(dstf_hbm, degp_out,
                    idst0_v, idst1_v, ones_v, z_v, deg_sh,
                    sem_i0, sem_i1, sem_s0, sem_s1):
        cid = lax.axis_index("c")
        sid = lax.axis_index("s")
        idst_v = (idst0_v, idst1_v)
        sem_i = (sem_i0, sem_i1)
        sem_s = (sem_s0, sem_s1)

        lo = sid * SL
        sl = lambda: pl.ds(lo, SL)
        nA = EPT // CHUNK
        base = (cid * NS + sid) * EPT
        idx_d = pltpu.async_copy(
            dstf_hbm.at[pl.ds(base, CHUNK)], idst_v[0], sem_i[0])
        onev = jnp.ones((16,), f32)
        zvec = jnp.zeros((16,), f32)

        def fill(i, carry):
            ones_v[pl.ds(i * 16, 16)] = onev
            return carry

        lax.fori_loop(0, CHUNK // 16, fill, 0)

        def zfill(i, carry):
            z_v[pl.ds(i * 16, 16)] = zvec
            return carry

        lax.fori_loop(0, SL // 16, zfill, 0)
        pltpu.sync_copy(z_v, deg_sh.at[sl()])
        plsc.subcore_barrier()

        scat = [None, None]
        for k in range(nA):
            p = k & 1
            q = p ^ 1
            if k + 1 < nA:
                if scat[q] is not None:
                    scat[q].wait()
                    scat[q] = None
                idx_next = pltpu.async_copy(
                    dstf_hbm.at[pl.ds(base + (k + 1) * CHUNK, CHUNK)],
                    idst_v[q], sem_i[q])
            idx_d.wait()
            scat[p] = pltpu.async_copy(
                ones_v, deg_sh.at[idst_v[p]], sem_s[p], add=True)
            if k + 1 < nA:
                idx_d = idx_next
        for d in scat:
            if d is not None:
                d.wait()
        plsc.subcore_barrier()
        pltpu.sync_copy(deg_sh.at[sl()], degp_out.at[cid, sl()])

    return hist_kernel


def _norm_body(N, degp_ref, xp_ref, u_ref, dinv_ref, dinv2_ref):
    deg = degp_ref[0:1, :] + degp_ref[1:2, :] + 1.0
    lin = lax.broadcasted_iota(jnp.int32, deg.shape, 1)
    dv = jnp.where(lin < N, lax.rsqrt(deg), 0.0)
    dinv_ref[...] = dv[0]
    dinv2_ref[...] = dv
    u_ref[...] = (dv * xp_ref[...])[0]


def _make_edge_kernel(NP, SL, EPT):
    mesh = plsc.VectorSubcoreMesh(
        core_axis_name="c", subcore_axis_name="s", num_cores=NC,
        num_subcores=NS)
    f32 = jnp.float32

    @functools.partial(
        pl.kernel,
        out_type=(jax.ShapeDtypeStruct((NC, NP), f32),
                  jax.ShapeDtypeStruct((NC, NP), f32)),
        mesh=mesh,
        scratch_types=[
            pltpu.VMEM((CHUNK,), jnp.int32),
            pltpu.VMEM((CHUNK,), jnp.int32),
            pltpu.VMEM((CHUNK,), jnp.int32),
            pltpu.VMEM((CHUNK,), jnp.int32),
            pltpu.VMEM((CHUNK,), f32),
            pltpu.VMEM((CHUNK,), f32),
            pltpu.VMEM((CHUNK,), f32),
            pltpu.VMEM((CHUNK,), f32),
            pltpu.VMEM((SL,), f32),
            pltpu.VMEM_SHARED((NP,), f32),
            pltpu.VMEM_SHARED((NP,), f32),
            pltpu.VMEM_SHARED((NP,), f32),
            pltpu.VMEM_SHARED((NP,), f32),
        ] + [pltpu.SemaphoreType.DMA] * 10,
    )
    def edge_kernel(srcf_hbm, dstf_hbm, u_hbm, dinv_hbm,
                    sin_out, sout_out,
                    idst0_v, idst1_v, isrc0_v, isrc1_v,
                    uval0_v, uval1_v, dval0_v, dval1_v, z_v,
                    u_sh, dinv_sh, sin_sh, sout_sh,
                    sem_i0, sem_i1, sem_gu0, sem_gu1, sem_gd0, sem_gd1,
                    sem_s10, sem_s11, sem_s20, sem_s21):
        cid = lax.axis_index("c")
        sid = lax.axis_index("s")
        idst_v = (idst0_v, idst1_v)
        isrc_v = (isrc0_v, isrc1_v)
        uval_v = (uval0_v, uval1_v)
        dval_v = (dval0_v, dval1_v)
        sem_i = (sem_i0, sem_i1)
        sem_gu = (sem_gu0, sem_gu1)
        sem_gd = (sem_gd0, sem_gd1)
        sem_s1 = (sem_s10, sem_s11)
        sem_s2 = (sem_s20, sem_s21)

        lo = sid * SL
        sl = lambda: pl.ds(lo, SL)

        tab_u = pltpu.async_copy(u_hbm.at[sl()], u_sh.at[sl()],
                                 sem_gu0)
        tab_d = pltpu.async_copy(dinv_hbm.at[sl()], dinv_sh.at[sl()],
                                 sem_gd0)
        zvec = jnp.zeros((16,), f32)

        def zfill(i, carry):
            z_v[pl.ds(i * 16, 16)] = zvec
            return carry

        lax.fori_loop(0, SL // 16, zfill, 0)
        pltpu.sync_copy(z_v, sin_sh.at[sl()])
        pltpu.sync_copy(z_v, sout_sh.at[sl()])
        tab_u.wait()
        tab_d.wait()
        plsc.subcore_barrier()

        nB = EPT // CHUNK
        base = (cid * NS + sid) * EPT
        i_s = pltpu.async_copy(
            srcf_hbm.at[pl.ds(base, CHUNK)], isrc_v[0], sem_i[0])
        i_d = pltpu.async_copy(
            dstf_hbm.at[pl.ds(base, CHUNK)], idst_v[0], sem_i[0])
        s1 = [None, None]
        s2 = [None, None]
        for k in range(nB):
            p = k & 1
            q = p ^ 1
            if k + 1 < nB:
                for s in (s1, s2):
                    if s[q] is not None:
                        s[q].wait()
                        s[q] = None
                off = base + (k + 1) * CHUNK
                i_sn = pltpu.async_copy(
                    srcf_hbm.at[pl.ds(off, CHUNK)], isrc_v[q], sem_i[q])
                i_dn = pltpu.async_copy(
                    dstf_hbm.at[pl.ds(off, CHUNK)], idst_v[q], sem_i[q])
            i_s.wait()
            i_d.wait()
            g_u = pltpu.async_copy(
                u_sh.at[isrc_v[p]], uval_v[p], sem_gu[p])
            g_d = pltpu.async_copy(
                dinv_sh.at[idst_v[p]], dval_v[p], sem_gd[p])
            g_u.wait()
            s1[p] = pltpu.async_copy(
                uval_v[p], sin_sh.at[idst_v[p]], sem_s1[p], add=True)
            g_d.wait()
            s2[p] = pltpu.async_copy(
                dval_v[p], sout_sh.at[isrc_v[p]], sem_s2[p], add=True)
            if k + 1 < nB:
                i_s = i_sn
                i_d = i_dn
        for s in (s1, s2):
            for d in s:
                if d is not None:
                    d.wait()
        plsc.subcore_barrier()

        pltpu.sync_copy(sin_sh.at[sl()], sin_out.at[cid, sl()])
        pltpu.sync_copy(sout_sh.at[sl()], sout_out.at[cid, sl()])

    return edge_kernel


def _dense_body(N, nsteps, sinp_ref, soutp_ref, dinv_ref, xp_ref, w1_ref,
                b1_ref, w2_ref, b2_ref, out_ref, vacc_ref):
    i = pl.program_id(0)
    dv = dinv_ref[...]
    s_in = sinp_ref[0:1, :] + sinp_ref[1:2, :]
    s_out = soutp_ref[0:1, :] + soutp_ref[1:2, :]
    agg = dv * s_in + dv * dv * xp_ref[...]
    cc = dv * s_out + dv * dv
    m = jnp.maximum(w1_ref[...] * agg + b1_ref[...], 0.0)
    w = lax.dot_general(m, cc, (((1,), (1,)), ((), ())),
                        preferred_element_type=jnp.float32)

    @pl.when(i == 0)
    def _():
        vacc_ref[...] = jnp.zeros_like(vacc_ref)

    vacc_ref[...] += w

    @pl.when(i == nsteps - 1)
    def _():
        out_ref[...] = (
            lax.dot_general(vacc_ref[...] * (1.0 / N), w2_ref[...],
                            (((0,), (0,)), ((), ())),
                            preferred_element_type=jnp.float32)
            + b2_ref[...])


def kernel(x, edge_index, W1, b1, W2, b2):
    N = x.shape[0]
    E = edge_index.shape[1]
    hid = W1.shape[1]
    dout = W2.shape[1]

    NB = 7168
    NP = _cdiv(N, NB) * NB
    SL = NP // NS
    nsteps = NP // NB
    assert E % (NT * CHUNK) == 0, (E, NT * CHUNK)
    EPT = E // NT

    f32 = jnp.float32
    xf = jnp.concatenate([x[:, 0].astype(f32),
                          jnp.zeros((NP - N,), f32)]).reshape(1, NP)
    ei = edge_index.astype(jnp.int32)

    srcf, dstf = pl.pallas_call(
        _split_body,
        out_shape=(jax.ShapeDtypeStruct((E,), jnp.int32),
                   jax.ShapeDtypeStruct((E,), jnp.int32)),
    )(ei)

    degp = _make_hist_kernel(NP, SL, EPT)(dstf)

    u, dinv, dinv2 = pl.pallas_call(
        functools.partial(_norm_body, N),
        out_shape=(jax.ShapeDtypeStruct((NP,), f32),
                   jax.ShapeDtypeStruct((NP,), f32),
                   jax.ShapeDtypeStruct((1, NP), f32)),
    )(degp, xf)

    sinp, soutp = _make_edge_kernel(NP, SL, EPT)(srcf, dstf, u, dinv)

    out2d = pl.pallas_call(
        functools.partial(_dense_body, N, nsteps),
        grid=(nsteps,),
        in_specs=[
            pl.BlockSpec((NC, NB), lambda i: (0, i)),
            pl.BlockSpec((NC, NB), lambda i: (0, i)),
            pl.BlockSpec((1, NB), lambda i: (0, i)),
            pl.BlockSpec((1, NB), lambda i: (0, i)),
            pl.BlockSpec((hid, 1), lambda i: (0, 0)),
            pl.BlockSpec((hid, 1), lambda i: (0, 0)),
            pl.BlockSpec((hid, dout), lambda i: (0, 0)),
            pl.BlockSpec((1, dout), lambda i: (0, 0)),
        ],
        out_specs=pl.BlockSpec((1, dout), lambda i: (0, 0)),
        out_shape=jax.ShapeDtypeStruct((1, dout), f32),
        scratch_shapes=[pltpu.VMEM((hid, 1), f32)],
    )(sinp, soutp, dinv2, xf,
      W1.reshape(hid, 1).astype(f32), b1.reshape(hid, 1).astype(f32),
      W2.astype(f32), b2.reshape(1, dout).astype(f32))

    return out2d.reshape(dout)

# --- scband reference (transcript-rebuilt; emitter-appended) ---
"""Pipeline reference for scband-efficient-gnn-15298673509049 (READ-ONLY COPY).

The authoritative reference and input builder live on the scoring server;
editing this copy changes nothing except your own understanding.
"""

import jax, jax.numpy as jnp
import numpy as np


def gcn_conv(x, edge_index, W, b):
    # Faithful PyG GCNConv: add self-loops, symmetric deg^{-1/2} normalization,
    # linear transform, scatter-add aggregation, bias.
    N = x.shape[0]
    loop = jnp.arange(N, dtype=edge_index.dtype)
    src = jnp.concatenate([edge_index[0], loop])
    dst = jnp.concatenate([edge_index[1], loop])
    h = x @ W
    deg = jax.ops.segment_sum(jnp.ones(src.shape[0], dtype=h.dtype), dst, num_segments=N)
    dinv = jnp.where(deg > 0, jax.lax.rsqrt(jnp.maximum(deg, 1e-12)), 0.0)
    norm = dinv[src] * dinv[dst]
    msg = h[src] * norm[:, None]
    out = jax.ops.segment_sum(msg, dst, num_segments=N)
    return out + b


def setup_inputs(seed: int = 0) -> dict:
    key = jax.random.key(seed)
    k1, k2, k3, k4, k5 = jax.random.split(key, 5)
    N = 100000
    E = 1600000
    din, hid, dout = 1, 128, 400
    x = jax.random.normal(k1, (N, din), dtype=jnp.float32)
    edge_index = jax.random.randint(k2, (2, E), 0, N, dtype=jnp.int32)
    W1 = jax.random.normal(k3, (din, hid), dtype=jnp.float32) * (1.0 / np.sqrt(din))
    b1 = jnp.zeros((hid,), dtype=jnp.float32)
    W2 = jax.random.normal(k4, (hid, dout), dtype=jnp.float32) * (1.0 / np.sqrt(hid))
    b2 = jnp.zeros((dout,), dtype=jnp.float32)
    return {"x": x, "edge_index": edge_index, "W1": W1, "b1": b1, "W2": W2, "b2": b2}


def reference(x, edge_index, W1, b1, W2, b2):
    h = jax.nn.relu(gcn_conv(x, edge_index, W1, b1))
    out = gcn_conv(h, edge_index, W2, b2)
    return out.mean(axis=0)

if __name__ == "__main__":
    import jax
    _d = setup_inputs()
    print(jax.jit(kernel)(*tuple(_d.values())))

</pallas_src>

<mosaic_0001>
#map = affine_map<(d0, d1) -> (0)>
#map1 = affine_map<(d0, d1) -> (0, 0)>
module attributes {stable_mosaic.version = 14 : i64} {
  func.func @hist_kernel(%arg0: i32, %arg1: i32, %arg2: memref<1600000xi32, #tpu.memory_space<hbm>>, %arg3: memref<2x100352xf32, #tpu.memory_space<hbm>>, %arg4: memref<10000xi32, #tpu.memory_space<vmem>>, %arg5: memref<10000xi32, #tpu.memory_space<vmem>>, %arg6: memref<10000xf32, #tpu.memory_space<vmem>>, %arg7: memref<6272xf32, #tpu.memory_space<vmem>>, %arg8: memref<100352xf32, #tpu.memory_space<vmem_shared>>, %arg9: memref<!tpu.dma_semaphore, #tpu.memory_space<semaphore_mem>>, %arg10: memref<!tpu.dma_semaphore, #tpu.memory_space<semaphore_mem>>, %arg11: memref<!tpu.dma_semaphore, #tpu.memory_space<semaphore_mem>>, %arg12: memref<!tpu.dma_semaphore, #tpu.memory_space<semaphore_mem>>) attributes {dimension_semantics = [#tpu.dimension_semantics<core_parallel>, #tpu.dimension_semantics<subcore_parallel>], iteration_bounds = array<i64: 2, 16>, scalar_prefetch = 0 : i64, scratch_operands = 9 : i64, tpu.core_type = #tpu.core_type<sc_vector_subcore>, window_params = [{transform_indices = #map}, {transform_indices = #map1}]} {
    %mul3A = arith.constant 6272 : i32
    %mul3A_0 = arith.muli %arg1, %mul3A : i32
    %mul3A_1 = arith.constant 16 : i32
    %mul3A_2 = arith.muli %arg0, %mul3A_1 : i32
    %add3A = arith.addi %mul3A_2, %arg1 : i32
    %mul3A_3 = arith.constant 50000 : i32
    %mul3A_4 = arith.muli %add3A, %mul3A_3 : i32
    %dma_start3A = tpu.memref_slice %arg2[%mul3A_4] : memref<1600000xi32, #tpu.memory_space<hbm>> -> memref<10000xi32, #tpu.memory_space<hbm>>
    %dma_start3A_5 = tpu.memref_slice %arg2[%mul3A_4] : memref<1600000xi32, #tpu.memory_space<hbm>> -> memref<10000xi32, #tpu.memory_space<hbm>>
    tpu.enqueue_dma source(%dma_start3A_5 : memref<10000xi32, #tpu.memory_space<hbm>>) target(%arg4 : memref<10000xi32, #tpu.memory_space<vmem>>) target_semaphore(%arg9 : memref<!tpu.dma_semaphore, #tpu.memory_space<semaphore_mem>>)
    %broadcast_in_dim3A = arith.constant 1.000000e+00 : f32
    %broadcast_in_dim3A_6 = vector.broadcast %broadcast_in_dim3A : f32 to vector<16xf32>
    %broadcast_in_dim3A_7 = arith.constant 0.000000e+00 : f32
    %broadcast_in_dim3A_8 = vector.broadcast %broadcast_in_dim3A_7 : f32 to vector<16xf32>
    %scan3A = arith.constant 0 : i32
    %scan3A_9 = arith.constant 0 : i32
    %scan3A_10 = arith.constant 625 : i32
    %scan3A_11 = arith.addi %scan3A_9, %scan3A_10 : i32
    %scan3A_12 = arith.constant 1 : i32
    scf.for %scan3A_66 = %scan3A_9 to %scan3A_11 step %scan3A_12  : i32 {
      %mul3A_67 = arith.constant 16 : i32
      %mul3A_68 = arith.muli %scan3A_66, %mul3A_67 : i32
      %swap3A = arith.index_cast %mul3A_68 : i32 to index
      %swap3A_69 = tpu.vector_load %arg6[%swap3A] {strides = array<i32>} : memref<10000xf32, #tpu.memory_space<vmem>>, vector<16xf32>,
      %swap3A_70 = vector.shape_cast %swap3A_69 : vector<16xf32> to vector<16xf32>
      %swap3A_71 = vector.shape_cast %broadcast_in_dim3A_6 : vector<16xf32> to vector<16xf32>
      tpu.vector_store %arg6[%swap3A], %swap3A_71 {strides = array<i32>} : memref<10000xf32, #tpu.memory_space<vmem>>, vector<16xf32>,
    }
    %scan3A_13 = arith.constant 625 : i32
    %scan3A_14 = arith.constant 0 : i32
    %scan3A_15 = arith.constant 0 : i32
    %scan3A_16 = arith.constant 392 : i32
    %scan3A_17 = arith.addi %scan3A_15, %scan3A_16 : i32
    %scan3A_18 = arith.constant 1 : i32
    scf.for %scan3A_66 = %scan3A_15 to %scan3A_17 step %scan3A_18  : i32 {
      %mul3A_67 = arith.constant 16 : i32
      %mul3A_68 = arith.muli %scan3A_66, %mul3A_67 : i32
      %swap3A = arith.index_cast %mul3A_68 : i32 to index
      %swap3A_69 = tpu.vector_load %arg7[%swap3A] {strides = array<i32>} : memref<6272xf32, #tpu.memory_space<vmem>>, vector<16xf32>,
      %swap3A_70 = vector.shape_cast %swap3A_69 : vector<16xf32> to vector<16xf32>
      %swap3A_71 = vector.shape_cast %broadcast_in_dim3A_8 : vector<16xf32> to vector<16xf32>
      tpu.vector_store %arg7[%swap3A], %swap3A_71 {strides = array<i32>} : memref<6272xf32, #tpu.memory_space<vmem>>, vector<16xf32>,
    }
    %scan3A_19 = arith.constant 392 : i32
    "tpu.region"() ({
      %run_scoped3A = tpu.sem_alloc : memref<!tpu.dma_semaphore, #tpu.memory_space<semaphore_mem>>
      %dma_start3A_66 = tpu.memref_slice %arg8[%mul3A_0] : memref<100352xf32, #tpu.memory_space<vmem_shared>> -> memref<6272xf32, #tpu.memory_space<vmem_shared>>
      %dma_start3A_67 = tpu.memref_slice %arg8[%mul3A_0] : memref<100352xf32, #tpu.memory_space<vmem_shared>> -> memref<6272xf32, #tpu.memory_space<vmem_shared>>
      tpu.enqueue_dma source(%arg7 : memref<6272xf32, #tpu.memory_space<vmem>>) target(%dma_start3A_67 : memref<6272xf32, #tpu.memory_space<vmem_shared>>) target_semaphore(%run_scoped3A : memref<!tpu.dma_semaphore, #tpu.memory_space<semaphore_mem>>)
      %dma_wait3A_68 = tpu.memref_slice %arg8[%mul3A_0] : memref<100352xf32, #tpu.memory_space<vmem_shared>> -> memref<6272xf32, #tpu.memory_space<vmem_shared>>
      %dma_wait3A_69 = tpu.memref_slice %arg8[%mul3A_0] : memref<100352xf32, #tpu.memory_space<vmem_shared>> -> memref<6272xf32, #tpu.memory_space<vmem_shared>>
      tpu.wait_dma2 semaphore(%run_scoped3A : memref<!tpu.dma_semaphore, #tpu.memory_space<semaphore_mem>>) src(%arg7 : memref<6272xf32, #tpu.memory_space<vmem>>) dst(%dma_wait3A_69 : memref<6272xf32, #tpu.memory_space<vmem_shared>>)
      tpu.yield
    }) : () -> ()
    %barrier3A = arith.constant 0 : index
    tpu.barrier barrier_id(%barrier3A)
    %add3A_20 = arith.constant 10000 : i32
    %add3A_21 = arith.addi %mul3A_4, %add3A_20 : i32
    %dma_start3A_22 = tpu.memref_slice %arg2[%add3A_21] : memref<1600000xi32, #tpu.memory_space<hbm>> -> memref<10000xi32, #tpu.memory_space<hbm>>
    %dma_start3A_23 = tpu.memref_slice %arg2[%add3A_21] : memref<1600000xi32, #tpu.memory_space<hbm>> -> memref<10000xi32, #tpu.memory_space<hbm>>
    tpu.enqueue_dma source(%dma_start3A_23 : memref<10000xi32, #tpu.memory_space<hbm>>) target(%arg5 : memref<10000xi32, #tpu.memory_space<vmem>>) target_semaphore(%arg10 : memref<!tpu.dma_semaphore, #tpu.memory_space<semaphore_mem>>)
    %dma_wait3A = tpu.memref_slice %arg2[%mul3A_4] : memref<1600000xi32, #tpu.memory_space<hbm>> -> memref<10000xi32, #tpu.memory_space<hbm>>
    %dma_wait3A_24 = tpu.memref_slice %arg2[%mul3A_4] : memref<1600000xi32, #tpu.memory_space<hbm>> -> memref<10000xi32, #tpu.memory_space<hbm>>
    tpu.wait_dma2 semaphore(%arg9 : memref<!tpu.dma_semaphore, #tpu.memory_space<semaphore_mem>>) src(%dma_wait3A_24 : memref<10000xi32, #tpu.memory_space<hbm>>) dst(%arg4 : memref<10000xi32, #tpu.memory_space<vmem>>)
    %dma_start3A_25 = arith.constant 0 : i32
    %dma_start3A_26 = tpu.memref_slice %arg8[%dma_start3A_25] : memref<100352xf32, #tpu.memory_space<vmem_shared>> -> memref<100352xf32, #tpu.memory_space<vmem_shared>>
    tpu.enqueue_indirect_dma source(%arg6 : memref<10000xf32, #tpu.memory_space<vmem>>) target(%dma_start3A_26 : memref<100352xf32, #tpu.memory_space<vmem_shared>>) offsets(%arg4 : memref<10000xi32, #tpu.memory_space<vmem>>) semaphore(%arg11 : memref<!tpu.dma_semaphore, #tpu.memory_space<semaphore_mem>>) {add = true}
    %dma_wait3A_27 = arith.constant 0 : i32
    %dma_wait3A_28 = tpu.memref_slice %arg8[%dma_wait3A_27] : memref<100352xf32, #tpu.memory_space<vmem_shared>> -> memref<100352xf32, #tpu.memory_space<vmem_shared>>
    tpu.wait_indirect_dma semaphore(%arg11 : memref<!tpu.dma_semaphore, #tpu.memory_space<semaphore_mem>>) src(%arg6 : memref<10000xf32, #tpu.memory_space<vmem>>) dst(%dma_wait3A_28 : memref<100352xf32, #tpu.memory_space<vmem_shared>>)
    %add3A_29 = arith.constant 20000 : i32
    %add3A_30 = arith.addi %mul3A_4, %add3A_29 : i32
    %dma_start3A_31 = tpu.memref_slice %arg2[%add3A_30] : memref<1600000xi32, #tpu.memory_space<hbm>> -> memref<10000xi32, #tpu.memory_space<hbm>>
    %dma_start3A_32 = tpu.memref_slice %arg2[%add3A_30] : memref<1600000xi32, #tpu.memory_space<hbm>> -> memref<10000xi32, #tpu.memory_space<hbm>>
    tpu.enqueue_dma source(%dma_start3A_32 : memref<10000xi32, #tpu.memory_space<hbm>>) target(%arg4 : memref<10000xi32, #tpu.memory_space<vmem>>) target_semaphore(%arg9 : memref<!tpu.dma_semaphore, #tpu.memory_space<semaphore_mem>>)
    %dma_wait3A_33 = tpu.memref_slice %arg2[%add3A_21] : memref<1600000xi32, #tpu.memory_space<hbm>> -> memref<10000xi32, #tpu.memory_space<hbm>>
    %dma_wait3A_34 = tpu.memref_slice %arg2[%add3A_21] : memref<1600000xi32, #tpu.memory_space<hbm>> -> memref<10000xi32, #tpu.memory_space<hbm>>
    tpu.wait_dma2 semaphore(%arg10 : memref<!tpu.dma_semaphore, #tpu.memory_space<semaphore_mem>>) src(%dma_wait3A_34 : memref<10000xi32, #tpu.memory_space<hbm>>) dst(%arg5 : memref<10000xi32, #tpu.memory_space<vmem>>)
    %dma_start3A_35 = arith.constant 0 : i32
    %dma_start3A_36 = tpu.memref_slice %arg8[%dma_start3A_35] : memref<100352xf32, #tpu.memory_space<vmem_shared>> -> memref<100352xf32, #tpu.memory_space<vmem_shared>>
    tpu.enqueue_indirect_dma source(%arg6 : memref<10000xf32, #tpu.memory_space<vmem>>) target(%dma_start3A_36 : memref<100352xf32, #tpu.memory_space<vmem_shared>>) offsets(%arg5 : memref<10000xi32, #tpu.memory_space<vmem>>) semaphore(%arg12 : memref<!tpu.dma_semaphore, #tpu.memory_space<semaphore_mem>>) {add = true}
    %dma_wait3A_37 = arith.constant 0 : i32
    %dma_wait3A_38 = tpu.memref_slice %arg8[%dma_wait3A_37] : memref<100352xf32, #tpu.memory_space<vmem_shared>> -> memref<100352xf32, #tpu.memory_space<vmem_shared>>
    tpu.wait_indirect_dma semaphore(%arg12 : memref<!tpu.dma_semaphore, #tpu.memory_space<semaphore_mem>>) src(%arg6 : memref<10000xf32, #tpu.memory_space<vmem>>) dst(%dma_wait3A_38 : memref<100352xf32, #tpu.memory_space<vmem_shared>>)
    %add3A_39 = arith.constant 30000 : i32
    %add3A_40 = arith.addi %mul3A_4, %add3A_39 : i32
    %dma_start3A_41 = tpu.memref_slice %arg2[%add3A_40] : memref<1600000xi32, #tpu.memory_space<hbm>> -> memref<10000xi32, #tpu.memory_space<hbm>>
    %dma_start3A_42 = tpu.memref_slice %arg2[%add3A_40] : memref<1600000xi32, #tpu.memory_space<hbm>> -> memref<10000xi32, #tpu.memory_space<hbm>>
    tpu.enqueue_dma source(%dma_start3A_42 : memref<10000xi32, #tpu.memory_space<hbm>>) target(%arg5 : memref<10000xi32, #tpu.memory_space<vmem>>) target_semaphore(%arg10 : memref<!tpu.dma_semaphore, #tpu.memory_space<semaphore_mem>>)
    %dma_wait3A_43 = tpu.memref_slice %arg2[%add3A_30] : memref<1600000xi32, #tpu.memory_space<hbm>> -> memref<10000xi32, #tpu.memory_space<hbm>>
    %dma_wait3A_44 = tpu.memref_slice %arg2[%add3A_30] : memref<1600000xi32, #tpu.memory_space<hbm>> -> memref<10000xi32, #tpu.memory_space<hbm>>
    tpu.wait_dma2 semaphore(%arg9 : memref<!tpu.dma_semaphore, #tpu.memory_space<semaphore_mem>>) src(%dma_wait3A_44 : memref<10000xi32, #tpu.memory_space<hbm>>) dst(%arg4 : memref<10000xi32, #tpu.memory_space<vmem>>)
    %dma_start3A_45 = arith.constant 0 : i32
    %dma_start3A_46 = tpu.memref_slice %arg8[%dma_start3A_45] : memref<100352xf32, #tpu.memory_space<vmem_shared>> -> memref<100352xf32, #tpu.memory_space<vmem_shared>>
    tpu.enqueue_indirect_dma source(%arg6 : memref<10000xf32, #tpu.memory_space<vmem>>) target(%dma_start3A_46 : memref<100352xf32, #tpu.memory_space<vmem_shared>>) offsets(%arg4 : memref<10000xi32, #tpu.memory_space<vmem>>) semaphore(%arg11 : memref<!tpu.dma_semaphore, #tpu.memory_space<semaphore_mem>>) {add = true}
    %dma_wait3A_47 = arith.constant 0 : i32
    %dma_wait3A_48 = tpu.memref_slice %arg8[%dma_wait3A_47] : memref<100352xf32, #tpu.memory_space<vmem_shared>> -> memref<100352xf32, #tpu.memory_space<vmem_shared>>
    tpu.wait_indirect_dma semaphore(%arg11 : memref<!tpu.dma_semaphore, #tpu.memory_space<semaphore_mem>>) src(%arg6 : memref<10000xf32, #tpu.memory_space<vmem>>) dst(%dma_wait3A_48 : memref<100352xf32, #tpu.memory_space<vmem_shared>>)
    %add3A_49 = arith.constant 40000 : i32
    %add3A_50 = arith.addi %mul3A_4, %add3A_49 : i32
    %dma_start3A_51 = tpu.memref_slice %arg2[%add3A_50] : memref<1600000xi32, #tpu.memory_space<hbm>> -> memref<10000xi32, #tpu.memory_space<hbm>>
    %dma_start3A_52 = tpu.memref_slice %arg2[%add3A_50] : memref<1600000xi32, #tpu.memory_space<hbm>> -> memref<10000xi32, #tpu.memory_space<hbm>>
    tpu.enqueue_dma source(%dma_start3A_52 : memref<10000xi32, #tpu.memory_space<hbm>>) target(%arg4 : memref<10000xi32, #tpu.memory_space<vmem>>) target_semaphore(%arg9 : memref<!tpu.dma_semaphore, #tpu.memory_space<semaphore_mem>>)
    %dma_wait3A_53 = tpu.memref_slice %arg2[%add3A_40] : memref<1600000xi32, #tpu.memory_space<hbm>> -> memref<10000xi32, #tpu.memory_space<hbm>>
    %dma_wait3A_54 = tpu.memref_slice %arg2[%add3A_40] : memref<1600000xi32, #tpu.memory_space<hbm>> -> memref<10000xi32, #tpu.memory_space<hbm>>
    tpu.wait_dma2 semaphore(%arg10 : memref<!tpu.dma_semaphore, #tpu.memory_space<semaphore_mem>>) src(%dma_wait3A_54 : memref<10000xi32, #tpu.memory_space<hbm>>) dst(%arg5 : memref<10000xi32, #tpu.memory_space<vmem>>)
    %dma_start3A_55 = arith.constant 0 : i32
    %dma_start3A_56 = tpu.memref_slice %arg8[%dma_start3A_55] : memref<100352xf32, #tpu.memory_space<vmem_shared>> -> memref<100352xf32, #tpu.memory_space<vmem_shared>>
    tpu.enqueue_indirect_dma source(%arg6 : memref<10000xf32, #tpu.memory_space<vmem>>) target(%dma_start3A_56 : memref<100352xf32, #tpu.memory_space<vmem_shared>>) offsets(%arg5 : memref<10000xi32, #tpu.memory_space<vmem>>) semaphore(%arg12 : memref<!tpu.dma_semaphore, #tpu.memory_space<semaphore_mem>>) {add = true}
    %dma_wait3A_57 = tpu.memref_slice %arg2[%add3A_50] : memref<1600000xi32, #tpu.memory_space<hbm>> -> memref<10000xi32, #tpu.memory_space<hbm>>
    %dma_wait3A_58 = tpu.memref_slice %arg2[%add3A_50] : memref<1600000xi32, #tpu.memory_space<hbm>> -> memref<10000xi32, #tpu.memory_space<hbm>>
    tpu.wait_dma2 semaphore(%arg9 : memref<!tpu.dma_semaphore, #tpu.memory_space<semaphore_mem>>) src(%dma_wait3A_58 : memref<10000xi32, #tpu.memory_space<hbm>>) dst(%arg4 : memref<10000xi32, #tpu.memory_space<vmem>>)
    %dma_start3A_59 = arith.constant 0 : i32
    %dma_start3A_60 = tpu.memref_slice %arg8[%dma_start3A_59] : memref<100352xf32, #tpu.memory_space<vmem_shared>> -> memref<100352xf32, #tpu.memory_space<vmem_shared>>
    tpu.enqueue_indirect_dma source(%arg6 : memref<10000xf32, #tpu.memory_space<vmem>>) target(%dma_start3A_60 : memref<100352xf32, #tpu.memory_space<vmem_shared>>) offsets(%arg4 : memref<10000xi32, #tpu.memory_space<vmem>>) semaphore(%arg11 : memref<!tpu.dma_semaphore, #tpu.memory_space<semaphore_mem>>) {add = true}
    %dma_wait3A_61 = arith.constant 0 : i32
    %dma_wait3A_62 = tpu.memref_slice %arg8[%dma_wait3A_61] : memref<100352xf32, #tpu.memory_space<vmem_shared>> -> memref<100352xf32, #tpu.memory_space<vmem_shared>>
    tpu.wait_indirect_dma semaphore(%arg11 : memref<!tpu.dma_semaphore, #tpu.memory_space<semaphore_mem>>) src(%arg6 : memref<10000xf32, #tpu.memory_space<vmem>>) dst(%dma_wait3A_62 : memref<100352xf32, #tpu.memory_space<vmem_shared>>)
    %dma_wait3A_63 = arith.constant 0 : i32
    %dma_wait3A_64 = tpu.memref_slice %arg8[%dma_wait3A_63] : memref<100352xf32, #tpu.memory_space<vmem_shared>> -> memref<100352xf32, #tpu.memory_space<vmem_shared>>
    tpu.wait_indirect_dma semaphore(%arg12 : memref<!tpu.dma_semaphore, #tpu.memory_space<semaphore_mem>>) src(%arg6 : memref<10000xf32, #tpu.memory_space<vmem>>) dst(%dma_wait3A_64 : memref<100352xf32, #tpu.memory_space<vmem_shared>>)
    %barrier3A_65 = arith.constant 0 : index
    tpu.barrier barrier_id(%barrier3A_65)
    "tpu.region"() ({
      %run_scoped3A = tpu.sem_alloc : memref<!tpu.dma_semaphore, #tpu.memory_space<semaphore_mem>>
      %dma_start3A_66 = tpu.memref_slice %arg3[%arg0, %mul3A_0] : memref<2x100352xf32, #tpu.memory_space<hbm>> -> memref<1x6272xf32, #tpu.memory_space<hbm>>
      %dma_start3A_67 = tpu.memref_squeeze %dma_start3A_66 : memref<1x6272xf32, #tpu.memory_space<hbm>> -> memref<6272xf32, #tpu.memory_space<hbm>>
      %dma_start3A_68 = tpu.memref_slice %arg8[%mul3A_0] : memref<100352xf32, #tpu.memory_space<vmem_shared>> -> memref<6272xf32, #tpu.memory_space<vmem_shared>>
      tpu.enqueue_dma source(%dma_start3A_68 : memref<6272xf32, #tpu.memory_space<vmem_shared>>) target(%dma_start3A_67 : memref<6272xf32, #tpu.memory_space<hbm>>) target_semaphore(%run_scoped3A : memref<!tpu.dma_semaphore, #tpu.memory_space<semaphore_mem>>)
      %dma_wait3A_69 = tpu.memref_slice %arg3[%arg0, %mul3A_0] : memref<2x100352xf32, #tpu.memory_space<hbm>> -> memref<1x6272xf32, #tpu.memory_space<hbm>>
      %dma_wait3A_70 = tpu.memref_squeeze %dma_wait3A_69 : memref<1x6272xf32, #tpu.memory_space<hbm>> -> memref<6272xf32, #tpu.memory_space<hbm>>
      %dma_wait3A_71 = tpu.memref_slice %arg8[%mul3A_0] : memref<100352xf32, #tpu.memory_space<vmem_shared>> -> memref<6272xf32, #tpu.memory_space<vmem_shared>>
      tpu.wait_dma2 semaphore(%run_scoped3A : memref<!tpu.dma_semaphore, #tpu.memory_space<semaphore_mem>>) src(%dma_wait3A_71 : memref<6272xf32, #tpu.memory_space<vmem_shared>>) dst(%dma_wait3A_70 : memref<6272xf32, #tpu.memory_space<hbm>>)
      tpu.yield
    }) : () -> ()
    return
  }
}

#map = affine_map<(d0, d1) -> (0)>
#map1 = affine_map<(d0, d1) -> (0, 0)>
module attributes {stable_mosaic.version = 14 : i64} {
  func.func @edge_kernel(%arg0: i32, %arg1: i32, %arg2: memref<1600000xi32, #tpu.memory_space<hbm>>, %arg3: memref<1600000xi32, #tpu.memory_space<hbm>>, %arg4: memref<100352xf32, #tpu.memory_space<hbm>>, %arg5: memref<100352xf32, #tpu.memory_space<hbm>>, %arg6: memref<2x100352xf32, #tpu.memory_space<hbm>>, %arg7: memref<2x100352xf32, #tpu.memory_space<hbm>>, %arg8: memref<10000xi32, #tpu.memory_space<vmem>>, %arg9: memref<10000xi32, #tpu.memory_space<vmem>>, %arg10: memref<10000xi32, #tpu.memory_space<vmem>>, %arg11: memref<10000xi32, #tpu.memory_space<vmem>>, %arg12: memref<10000xf32, #tpu.memory_space<vmem>>, %arg13: memref<10000xf32, #tpu.memory_space<vmem>>, %arg14: memref<10000xf32, #tpu.memory_space<vmem>>, %arg15: memref<10000xf32, #tpu.memory_space<vmem>>, %arg16: memref<6272xf32, #tpu.memory_space<vmem>>, %arg17: memref<100352xf32, #tpu.memory_space<vmem_shared>>, %arg18: memref<100352xf32, #tpu.memory_space<vmem_shared>>, %arg19: memref<100352xf32, #tpu.memory_space<vmem_shared>>, %arg20: memref<100352xf32, #tpu.memory_space<vmem_shared>>, %arg21: memref<!tpu.dma_semaphore, #tpu.memory_space<semaphore_mem>>, %arg22: memref<!tpu.dma_semaphore, #tpu.memory_space<semaphore_mem>>, %arg23: memref<!tpu.dma_semaphore, #tpu.memory_space<semaphore_mem>>, %arg24: memref<!tpu.dma_semaphore, #tpu.memory_space<semaphore_mem>>, %arg25: memref<!tpu.dma_semaphore, #tpu.memory_space<semaphore_mem>>, %arg26: memref<!tpu.dma_semaphore, #tpu.memory_space<semaphore_mem>>, %arg27: memref<!tpu.dma_semaphore, #tpu.memory_space<semaphore_mem>>, %arg28: memref<!tpu.dma_semaphore, #tpu.memory_space<semaphore_mem>>, %arg29: memref<!tpu.dma_semaphore, #tpu.memory_space<semaphore_mem>>, %arg30: memref<!tpu.dma_semaphore, #tpu.memory_space<semaphore_mem>>) attributes {dimension_semantics = [#tpu.dimension_semantics<core_parallel>, #tpu.dimension_semantics<subcore_parallel>], iteration_bounds = array<i64: 2, 16>, scalar_prefetch = 0 : i64, scratch_operands = 23 : i64, tpu.core_type = #tpu.core_type<sc_vector_subcore>, window_params = [{transform_indices = #map}, {transform_indices = #map}, {transform_indices = #map}, {transform_indices = #map}, {transform_indices = #map1}, {transform_indices = #map1}]} {
    %mul3A = arith.constant 6272 : i32
    %mul3A_0 = arith.muli %arg1, %mul3A : i32
    %dma_start3A = tpu.memref_slice %arg17[%mul3A_0] : memref<100352xf32, #tpu.memory_space<vmem_shared>> -> memref<6272xf32, #tpu.memory_space<vmem_shared>>
    %dma_start3A_1 = tpu.memref_slice %arg4[%mul3A_0] : memref<100352xf32, #tpu.memory_space<hbm>> -> memref<6272xf32, #tpu.memory_space<hbm>>
    tpu.enqueue_dma source(%dma_start3A_1 : memref<6272xf32, #tpu.memory_space<hbm>>) target(%dma_start3A : memref<6272xf32, #tpu.memory_space<vmem_shared>>) target_semaphore(%arg23 : memref<!tpu.dma_semaphore, #tpu.memory_space<semaphore_mem>>)
    %dma_start3A_2 = tpu.memref_slice %arg18[%mul3A_0] : memref<100352xf32, #tpu.memory_space<vmem_shared>> -> memref<6272xf32, #tpu.memory_space<vmem_shared>>
    %dma_start3A_3 = tpu.memref_slice %arg5[%mul3A_0] : memref<100352xf32, #tpu.memory_space<hbm>> -> memref<6272xf32, #tpu.memory_space<hbm>>
    tpu.enqueue_dma source(%dma_start3A_3 : memref<6272xf32, #tpu.memory_space<hbm>>) target(%dma_start3A_2 : memref<6272xf32, #tpu.memory_space<vmem_shared>>) target_semaphore(%arg25 : memref<!tpu.dma_semaphore, #tpu.memory_space<semaphore_mem>>)
    %broadcast_in_dim3A = arith.constant 0.000000e+00 : f32
    %broadcast_in_dim3A_4 = vector.broadcast %broadcast_in_dim3A : f32 to vector<16xf32>
    %scan3A = arith.constant 0 : i32
    %scan3A_5 = arith.constant 0 : i32
    %scan3A_6 = arith.constant 392 : i32
    %scan3A_7 = arith.addi %scan3A_5, %scan3A_6 : i32
    %scan3A_8 = arith.constant 1 : i32
    scf.for %scan3A_146 = %scan3A_5 to %scan3A_7 step %scan3A_8  : i32 {
      %mul3A_147 = arith.constant 16 : i32
      %mul3A_148 = arith.muli %scan3A_146, %mul3A_147 : i32
      %swap3A = arith.index_cast %mul3A_148 : i32 to index
      %swap3A_149 = tpu.vector_load %arg16[%swap3A] {strides = array<i32>} : memref<6272xf32, #tpu.memory_space<vmem>>, vector<16xf32>,
      %swap3A_150 = vector.shape_cast %swap3A_149 : vector<16xf32> to vector<16xf32>
      %swap3A_151 = vector.shape_cast %broadcast_in_dim3A_4 : vector<16xf32> to vector<16xf32>
      tpu.vector_store %arg16[%swap3A], %swap3A_151 {strides = array<i32>} : memref<6272xf32, #tpu.memory_space<vmem>>, vector<16xf32>,
    }
    %scan3A_9 = arith.constant 392 : i32
    "tpu.region"() ({
      %run_scoped3A = tpu.sem_alloc : memref<!tpu.dma_semaphore, #tpu.memory_space<semaphore_mem>>
      %dma_start3A_146 = tpu.memref_slice %arg19[%mul3A_0] : memref<100352xf32, #tpu.memory_space<vmem_shared>> -> memref<6272xf32, #tpu.memory_space<vmem_shared>>
      %dma_start3A_147 = tpu.memref_slice %arg19[%mul3A_0] : memref<100352xf32, #tpu.memory_space<vmem_shared>> -> memref<6272xf32, #tpu.memory_space<vmem_shared>>
      tpu.enqueue_dma source(%arg16 : memref<6272xf32, #tpu.memory_space<vmem>>) target(%dma_start3A_147 : memref<6272xf32, #tpu.memory_space<vmem_shared>>) target_semaphore(%run_scoped3A : memref<!tpu.dma_semaphore, #tpu.memory_space<semaphore_mem>>)
      %dma_wait3A_148 = tpu.memref_slice %arg19[%mul3A_0] : memref<100352xf32, #tpu.memory_space<vmem_shared>> -> memref<6272xf32, #tpu.memory_space<vmem_shared>>
      %dma_wait3A_149 = tpu.memref_slice %arg19[%mul3A_0] : memref<100352xf32, #tpu.memory_space<vmem_shared>> -> memref<6272xf32, #tpu.memory_space<vmem_shared>>
      tpu.wait_dma2 semaphore(%run_scoped3A : memref<!tpu.dma_semaphore, #tpu.memory_space<semaphore_mem>>) src(%arg16 : memref<6272xf32, #tpu.memory_space<vmem>>) dst(%dma_wait3A_149 : memref<6272xf32, #tpu.memory_space<vmem_shared>>)
      tpu.yield
    }) : () -> ()
    "tpu.region"() ({
      %run_scoped3A = tpu.sem_alloc : memref<!tpu.dma_semaphore, #tpu.memory_space<semaphore_mem>>
      %dma_start3A_146 = tpu.memref_slice %arg20[%mul3A_0] : memref<100352xf32, #tpu.memory_space<vmem_shared>> -> memref<6272xf32, #tpu.memory_space<vmem_shared>>
      %dma_start3A_147 = tpu.memref_slice %arg20[%mul3A_0] : memref<100352xf32, #tpu.memory_space<vmem_shared>> -> memref<6272xf32, #tpu.memory_space<vmem_shared>>
      tpu.enqueue_dma source(%arg16 : memref<6272xf32, #tpu.memory_space<vmem>>) target(%dma_start3A_147 : memref<6272xf32, #tpu.memory_space<vmem_shared>>) target_semaphore(%run_scoped3A : memref<!tpu.dma_semaphore, #tpu.memory_space<semaphore_mem>>)
      %dma_wait3A_148 = tpu.memref_slice %arg20[%mul3A_0] : memref<100352xf32, #tpu.memory_space<vmem_shared>> -> memref<6272xf32, #tpu.memory_space<vmem_shared>>
      %dma_wait3A_149 = tpu.memref_slice %arg20[%mul3A_0] : memref<100352xf32, #tpu.memory_space<vmem_shared>> -> memref<6272xf32, #tpu.memory_space<vmem_shared>>
      tpu.wait_dma2 semaphore(%run_scoped3A : memref<!tpu.dma_semaphore, #tpu.memory_space<semaphore_mem>>) src(%arg16 : memref<6272xf32, #tpu.memory_space<vmem>>) dst(%dma_wait3A_149 : memref<6272xf32, #tpu.memory_space<vmem_shared>>)
      tpu.yield
    }) : () -> ()
    %dma_wait3A = tpu.memref_slice %arg17[%mul3A_0] : memref<100352xf32, #tpu.memory_space<vmem_shared>> -> memref<6272xf32, #tpu.memory_space<vmem_shared>>
    %dma_wait3A_10 = tpu.memref_slice %arg4[%mul3A_0] : memref<100352xf32, #tpu.memory_space<hbm>> -> memref<6272xf32, #tpu.memory_space<hbm>>
    tpu.wait_dma2 semaphore(%arg23 : memref<!tpu.dma_semaphore, #tpu.memory_space<semaphore_mem>>) src(%dma_wait3A_10 : memref<6272xf32, #tpu.memory_space<hbm>>) dst(%dma_wait3A : memref<6272xf32, #tpu.memory_space<vmem_shared>>)
    %dma_wait3A_11 = tpu.memref_slice %arg18[%mul3A_0] : memref<100352xf32, #tpu.memory_space<vmem_shared>> -> memref<6272xf32, #tpu.memory_space<vmem_shared>>
    %dma_wait3A_12 = tpu.memref_slice %arg5[%mul3A_0] : memref<100352xf32, #tpu.memory_space<hbm>> -> memref<6272xf32, #tpu.memory_space<hbm>>
    tpu.wait_dma2 semaphore(%arg25 : memref<!tpu.dma_semaphore, #tpu.memory_space<semaphore_mem>>) src(%dma_wait3A_12 : memref<6272xf32, #tpu.memory_space<hbm>>) dst(%dma_wait3A_11 : memref<6272xf32, #tpu.memory_space<vmem_shared>>)
    %barrier3A = arith.constant 0 : index
    tpu.barrier barrier_id(%barrier3A)
    %mul3A_13 = arith.constant 16 : i32
    %mul3A_14 = arith.muli %arg0, %mul3A_13 : i32
    %add3A = arith.addi %mul3A_14, %arg1 : i32
    %mul3A_15 = arith.constant 50000 : i32
    %mul3A_16 = arith.muli %add3A, %mul3A_15 : i32
    %dma_start3A_17 = tpu.memref_slice %arg2[%mul3A_16] : memref<1600000xi32, #tpu.memory_space<hbm>> -> memref<10000xi32, #tpu.memory_space<hbm>>
    %dma_start3A_18 = tpu.memref_slice %arg2[%mul3A_16] : memref<1600000xi32, #tpu.memory_space<hbm>> -> memref<10000xi32, #tpu.memory_space<hbm>>
    tpu.enqueue_dma source(%dma_start3A_18 : memref<10000xi32, #tpu.memory_space<hbm>>) target(%arg10 : memref<10000xi32, #tpu.memory_space<vmem>>) target_semaphore(%arg21 : memref<!tpu.dma_semaphore, #tpu.memory_space<semaphore_mem>>)
    %dma_start3A_19 = tpu.memref_slice %arg3[%mul3A_16] : memref<1600000xi32, #tpu.memory_space<hbm>> -> memref<10000xi32, #tpu.memory_space<hbm>>
    %dma_start3A_20 = tpu.memref_slice %arg3[%mul3A_16] : memref<1600000xi32, #tpu.memory_space<hbm>> -> memref<10000xi32, #tpu.memory_space<hbm>>
    tpu.enqueue_dma source(%dma_start3A_20 : memref<10000xi32, #tpu.memory_space<hbm>>) target(%arg8 : memref<10000xi32, #tpu.memory_space<vmem>>) target_semaphore(%arg21 : memref<!tpu.dma_semaphore, #tpu.memory_space<semaphore_mem>>)
    %add3A_21 = arith.constant 10000 : i32
    %add3A_22 = arith.addi %mul3A_16, %add3A_21 : i32
    %dma_start3A_23 = tpu.memref_slice %arg2[%add3A_22] : memref<1600000xi32, #tpu.memory_space<hbm>> -> memref<10000xi32, #tpu.memory_space<hbm>>
    %dma_start3A_24 = tpu.memref_slice %arg2[%add3A_22] : memref<1600000xi32, #tpu.memory_space<hbm>> -> memref<10000xi32, #tpu.memory_space<hbm>>
    tpu.enqueue_dma source(%dma_start3A_24 : memref<10000xi32, #tpu.memory_space<hbm>>) target(%arg11 : memref<10000xi32, #tpu.memory_space<vmem>>) target_semaphore(%arg22 : memref<!tpu.dma_semaphore, #tpu.memory_space<semaphore_mem>>)
    %dma_start3A_25 = tpu.memref_slice %arg3[%add3A_22] : memref<1600000xi32, #tpu.memory_space<hbm>> -> memref<10000xi32, #tpu.memory_space<hbm>>
    %dma_start3A_26 = tpu.memref_slice %arg3[%add3A_22] : memref<1600000xi32, #tpu.memory_space<hbm>> -> memref<10000xi32, #tpu.memory_space<hbm>>
    tpu.enqueue_dma source(%dma_start3A_26 : memref<10000xi32, #tpu.memory_space<hbm>>) target(%arg9 : memref<10000xi32, #tpu.memory_space<vmem>>) target_semaphore(%arg22 : memref<!tpu.dma_semaphore, #tpu.memory_space<semaphore_mem>>)
    %dma_wait3A_27 = tpu.memref_slice %arg2[%mul3A_16] : memref<1600000xi32, #tpu.memory_space<hbm>> -> memref<10000xi32, #tpu.memory_space<hbm>>
    %dma_wait3A_28 = tpu.memref_slice %arg2[%mul3A_16] : memref<1600000xi32, #tpu.memory_space<hbm>> -> memref<10000xi32, #tpu.memory_space<hbm>>
    tpu.wait_dma2 semaphore(%arg21 : memref<!tpu.dma_semaphore, #tpu.memory_space<semaphore_mem>>) src(%dma_wait3A_28 : memref<10000xi32, #tpu.memory_space<hbm>>) dst(%arg10 : memref<10000xi32, #tpu.memory_space<vmem>>)
    %dma_wait3A_29 = tpu.memref_slice %arg3[%mul3A_16] : memref<1600000xi32, #tpu.memory_space<hbm>> -> memref<10000xi32, #tpu.memory_space<hbm>>
    %dma_wait3A_30 = tpu.memref_slice %arg3[%mul3A_16] : memref<1600000xi32, #tpu.memory_space<hbm>> -> memref<10000xi32, #tpu.memory_space<hbm>>
    tpu.wait_dma2 semaphore(%arg21 : memref<!tpu.dma_semaphore, #tpu.memory_space<semaphore_mem>>) src(%dma_wait3A_30 : memref<10000xi32, #tpu.memory_space<hbm>>) dst(%arg8 : memref<10000xi32, #tpu.memory_space<vmem>>)
    %dma_start3A_31 = arith.constant 0 : i32
    %dma_start3A_32 = tpu.memref_slice %arg17[%dma_start3A_31] : memref<100352xf32, #tpu.memory_space<vmem_shared>> -> memref<100352xf32, #tpu.memory_space<vmem_shared>>
    tpu.enqueue_indirect_dma source(%dma_start3A_32 : memref<100352xf32, #tpu.memory_space<vmem_shared>>) target(%arg12 : memref<10000xf32, #tpu.memory_space<vmem>>) offsets(%arg10 : memref<10000xi32, #tpu.memory_space<vmem>>) semaphore(%arg23 : memref<!tpu.dma_semaphore, #tpu.memory_space<semaphore_mem>>)
    %dma_start3A_33 = arith.constant 0 : i32
    %dma_start3A_34 = tpu.memref_slice %arg18[%dma_start3A_33] : memref<100352xf32, #tpu.memory_space<vmem_shared>> -> memref<100352xf32, #tpu.memory_space<vmem_shared>>
    tpu.enqueue_indirect_dma source(%dma_start3A_34 : memref<100352xf32, #tpu.memory_space<vmem_shared>>) target(%arg14 : memref<10000xf32, #tpu.memory_space<vmem>>) offsets(%arg8 : memref<10000xi32, #tpu.memory_space<vmem>>) semaphore(%arg25 : memref<!tpu.dma_semaphore, #tpu.memory_space<semaphore_mem>>)
    %dma_wait3A_35 = arith.constant 0 : i32
    %dma_wait3A_36 = tpu.memref_slice %arg17[%dma_wait3A_35] : memref<100352xf32, #tpu.memory_space<vmem_shared>> -> memref<100352xf32, #tpu.memory_space<vmem_shared>>
    tpu.wait_indirect_dma semaphore(%arg23 : memref<!tpu.dma_semaphore, #tpu.memory_space<semaphore_mem>>) src(%dma_wait3A_36 : memref<100352xf32, #tpu.memory_space<vmem_shared>>) dst(%arg12 : memref<10000xf32, #tpu.memory_space<vmem>>)
    %dma_start3A_37 = arith.constant 0 : i32
    %dma_start3A_38 = tpu.memref_slice %arg19[%dma_start3A_37] : memref<100352xf32, #tpu.memory_space<vmem_shared>> -> memref<100352xf32, #tpu.memory_space<vmem_shared>>
    tpu.enqueue_indirect_dma source(%arg12 : memref<10000xf32, #tpu.memory_space<vmem>>) target(%dma_start3A_38 : memref<100352xf32, #tpu.memory_space<vmem_shared>>) offsets(%arg8 : memref<10000xi32, #tpu.memory_space<vmem>>) semaphore(%arg27 : memref<!tpu.dma_semaphore, #tpu.memory_space<semaphore_mem>>) {add = true}
    %dma_wait3A_39 = arith.constant 0 : i32
    %dma_wait3A_40 = tpu.memref_slice %arg18[%dma_wait3A_39] : memref<100352xf32, #tpu.memory_space<vmem_shared>> -> memref<100352xf32, #tpu.memory_space<vmem_shared>>
    tpu.wait_indirect_dma semaphore(%arg25 : memref<!tpu.dma_semaphore, #tpu.memory_space<semaphore_mem>>) src(%dma_wait3A_40 : memref<100352xf32, #tpu.memory_space<vmem_shared>>) dst(%arg14 : memref<10000xf32, #tpu.memory_space<vmem>>)
    %dma_start3A_41 = arith.constant 0 : i32
    %dma_start3A_42 = tpu.memref_slice %arg20[%dma_start3A_41] : memref<100352xf32, #tpu.memory_space<vmem_shared>> -> memref<100352xf32, #tpu.memory_space<vmem_shared>>
    tpu.enqueue_indirect_dma source(%arg14 : memref<10000xf32, #tpu.memory_space<vmem>>) target(%dma_start3A_42 : memref<100352xf32, #tpu.memory_space<vmem_shared>>) offsets(%arg10 : memref<10000xi32, #tpu.memory_space<vmem>>) semaphore(%arg29 : memref<!tpu.dma_semaphore, #tpu.memory_space<semaphore_mem>>) {add = true}
    %dma_wait3A_43 = arith.constant 0 : i32
    %dma_wait3A_44 = tpu.memref_slice %arg19[%dma_wait3A_43] : memref<100352xf32, #tpu.memory_space<vmem_shared>> -> memref<100352xf32, #tpu.memory_space<vmem_shared>>
    tpu.wait_indirect_dma semaphore(%arg27 : memref<!tpu.dma_semaphore, #tpu.memory_space<semaphore_mem>>) src(%arg12 : memref<10000xf32, #tpu.memory_space<vmem>>) dst(%dma_wait3A_44 : memref<100352xf32, #tpu.memory_space<vmem_shared>>)
    %dma_wait3A_45 = arith.constant 0 : i32
    %dma_wait3A_46 = tpu.memref_slice %arg20[%dma_wait3A_45] : memref<100352xf32, #tpu.memory_space<vmem_shared>> -> memref<100352xf32, #tpu.memory_space<vmem_shared>>
    tpu.wait_indirect_dma semaphore(%arg29 : memref<!tpu.dma_semaphore, #tpu.memory_space<semaphore_mem>>) src(%arg14 : memref<10000xf32, #tpu.memory_space<vmem>>) dst(%dma_wait3A_46 : memref<100352xf32, #tpu.memory_space<vmem_shared>>)
    %add3A_47 = arith.constant 20000 : i32
    %add3A_48 = arith.addi %mul3A_16, %add3A_47 : i32
    %dma_start3A_49 = tpu.memref_slice %arg2[%add3A_48] : memref<1600000xi32, #tpu.memory_space<hbm>> -> memref<10000xi32, #tpu.memory_space<hbm>>
    %dma_start3A_50 = tpu.memref_slice %arg2[%add3A_48] : memref<1600000xi32, #tpu.memory_space<hbm>> -> memref<10000xi32, #tpu.memory_space<hbm>>
    tpu.enqueue_dma source(%dma_start3A_50 : memref<10000xi32, #tpu.memory_space<hbm>>) target(%arg10 : memref<10000xi32, #tpu.memory_space<vmem>>) target_semaphore(%arg21 : memref<!tpu.dma_semaphore, #tpu.memory_space<semaphore_mem>>)
    %dma_start3A_51 = tpu.memref_slice %arg3[%add3A_48] : memref<1600000xi32, #tpu.memory_space<hbm>> -> memref<10000xi32, #tpu.memory_space<hbm>>
    %dma_start3A_52 = tpu.memref_slice %arg3[%add3A_48] : memref<1600000xi32, #tpu.memory_space<hbm>> -> memref<10000xi32, #tpu.memory_space<hbm>>
    tpu.enqueue_dma source(%dma_start3A_52 : memref<10000xi32, #tpu.memory_space<hbm>>) target(%arg8 : memref<10000xi32, #tpu.memory_space<vmem>>) target_semaphore(%arg21 : memref<!tpu.dma_semaphore, #tpu.memory_space<semaphore_mem>>)
    %dma_wait3A_53 = tpu.memref_slice %arg2[%add3A_22] : memref<1600000xi32, #tpu.memory_space<hbm>> -> memref<10000xi32, #tpu.memory_space<hbm>>
    %dma_wait3A_54 = tpu.memref_slice %arg2[%add3A_22] : memref<1600000xi32, #tpu.memory_space<hbm>> -> memref<10000xi32, #tpu.memory_space<hbm>>
    tpu.wait_dma2 semaphore(%arg22 : memref<!tpu.dma_semaphore, #tpu.memory_space<semaphore_mem>>) src(%dma_wait3A_54 : memref<10000xi32, #tpu.memory_space<hbm>>) dst(%arg11 : memref<10000xi32, #tpu.memory_space<vmem>>)
    %dma_wait3A_55 = tpu.memref_slice %arg3[%add3A_22] : memref<1600000xi32, #tpu.memory_space<hbm>> -> memref<10000xi32, #tpu.memory_space<hbm>>
    %dma_wait3A_56 = tpu.memref_slice %arg3[%add3A_22] : memref<1600000xi32, #tpu.memory_space<hbm>> -> memref<10000xi32, #tpu.memory_space<hbm>>
    tpu.wait_dma2 semaphore(%arg22 : memref<!tpu.dma_semaphore, #tpu.memory_space<semaphore_mem>>) src(%dma_wait3A_56 : memref<10000xi32, #tpu.memory_space<hbm>>) dst(%arg9 : memref<10000xi32, #tpu.memory_space<vmem>>)
    %dma_start3A_57 = arith.constant 0 : i32
    %dma_start3A_58 = tpu.memref_slice %arg17[%dma_start3A_57] : memref<100352xf32, #tpu.memory_space<vmem_shared>> -> memref<100352xf32, #tpu.memory_space<vmem_shared>>
    tpu.enqueue_indirect_dma source(%dma_start3A_58 : memref<100352xf32, #tpu.memory_space<vmem_shared>>) target(%arg13 : memref<10000xf32, #tpu.memory_space<vmem>>) offsets(%arg11 : memref<10000xi32, #tpu.memory_space<vmem>>) semaphore(%arg24 : memref<!tpu.dma_semaphore, #tpu.memory_space<semaphore_mem>>)
    %dma_start3A_59 = arith.constant 0 : i32
    %dma_start3A_60 = tpu.memref_slice %arg18[%dma_start3A_59] : memref<100352xf32, #tpu.memory_space<vmem_shared>> -> memref<100352xf32, #tpu.memory_space<vmem_shared>>
    tpu.enqueue_indirect_dma source(%dma_start3A_60 : memref<100352xf32, #tpu.memory_space<vmem_shared>>) target(%arg15 : memref<10000xf32, #tpu.memory_space<vmem>>) offsets(%arg9 : memref<10000xi32, #tpu.memory_space<vmem>>) semaphore(%arg26 : memref<!tpu.dma_semaphore, #tpu.memory_space<semaphore_mem>>)
    %dma_wait3A_61 = arith.constant 0 : i32
    %dma_wait3A_62 = tpu.memref_slice %arg17[%dma_wait3A_61] : memref<100352xf32, #tpu.memory_space<vmem_shared>> -> memref<100352xf32, #tpu.memory_space<vmem_shared>>
    tpu.wait_indirect_dma semaphore(%arg24 : memref<!tpu.dma_semaphore, #tpu.memory_space<semaphore_mem>>) src(%dma_wait3A_62 : memref<100352xf32, #tpu.memory_space<vmem_shared>>) dst(%arg13 : memref<10000xf32, #tpu.memory_space<vmem>>)
    %dma_start3A_63 = arith.constant 0 : i32
    %dma_start3A_64 = tpu.memref_slice %arg19[%dma_start3A_63] : memref<100352xf32, #tpu.memory_space<vmem_shared>> -> memref<100352xf32, #tpu.memory_space<vmem_shared>>
    tpu.enqueue_indirect_dma source(%arg13 : memref<10000xf32, #tpu.memory_space<vmem>>) target(%dma_start3A_64 : memref<100352xf32, #tpu.memory_space<vmem_shared>>) offsets(%arg9 : memref<10000xi32, #tpu.memory_space<vmem>>) semaphore(%arg28 : memref<!tpu.dma_semaphore, #tpu.memory_space<semaphore_mem>>) {add = true}
    %dma_wait3A_65 = arith.constant 0 : i32
    %dma_wait3A_66 = tpu.memref_slice %arg18[%dma_wait3A_65] : memref<100352xf32, #tpu.memory_space<vmem_shared>> -> memref<100352xf32, #tpu.memory_space<vmem_shared>>
    tpu.wait_indirect_dma semaphore(%arg26 : memref<!tpu.dma_semaphore, #tpu.memory_space<semaphore_mem>>) src(%dma_wait3A_66 : memref<100352xf32, #tpu.memory_space<vmem_shared>>) dst(%arg15 : memref<10000xf32, #tpu.memory_space<vmem>>)
    %dma_start3A_67 = arith.constant 0 : i32
    %dma_start3A_68 = tpu.memref_slice %arg20[%dma_start3A_67] : memref<100352xf32, #tpu.memory_space<vmem_shared>> -> memref<100352xf32, #tpu.memory_space<vmem_shared>>
    tpu.enqueue_indirect_dma source(%arg15 : memref<10000xf32, #tpu.memory_space<vmem>>) target(%dma_start3A_68 : memref<100352xf32, #tpu.memory_space<vmem_shared>>) offsets(%arg11 : memref<10000xi32, #tpu.memory_space<vmem>>) semaphore(%arg30 : memref<!tpu.dma_semaphore, #tpu.memory_space<semaphore_mem>>) {add = true}
    %dma_wait3A_69 = arith.constant 0 : i32
    %dma_wait3A_70 = tpu.memref_slice %arg19[%dma_wait3A_69] : memref<100352xf32, #tpu.memory_space<vmem_shared>> -> memref<100352xf32, #tpu.memory_space<vmem_shared>>
    tpu.wait_indirect_dma semaphore(%arg28 : memref<!tpu.dma_semaphore, #tpu.memory_space<semaphore_mem>>) src(%arg13 : memref<10000xf32, #tpu.memory_space<vmem>>) dst(%dma_wait3A_70 : memref<100352xf32, #tpu.memory_space<vmem_shared>>)
    %dma_wait3A_71 = arith.constant 0 : i32
    %dma_wait3A_72 = tpu.memref_slice %arg20[%dma_wait3A_71] : memref<100352xf32, #tpu.memory_space<vmem_shared>> -> memref<100352xf32, #tpu.memory_space<vmem_shared>>
    tpu.wait_indirect_dma semaphore(%arg30 : memref<!tpu.dma_semaphore, #tpu.memory_space<semaphore_mem>>) src(%arg15 : memref<10000xf32, #tpu.memory_space<vmem>>) dst(%dma_wait3A_72 : memref<100352xf32, #tpu.memory_space<vmem_shared>>)
    %add3A_73 = arith.constant 30000 : i32
    %add3A_74 = arith.addi %mul3A_16, %add3A_73 : i32
    %dma_start3A_75 = tpu.memref_slice %arg2[%add3A_74] : memref<1600000xi32, #tpu.memory_space<hbm>> -> memref<10000xi32, #tpu.memory_space<hbm>>
    %dma_start3A_76 = tpu.memref_slice %arg2[%add3A_74] : memref<1600000xi32, #tpu.memory_space<hbm>> -> memref<10000xi32, #tpu.memory_space<hbm>>
    tpu.enqueue_dma source(%dma_start3A_76 : memref<10000xi32, #tpu.memory_space<hbm>>) target(%arg11 : memref<10000xi32, #tpu.memory_space<vmem>>) target_semaphore(%arg22 : memref<!tpu.dma_semaphore, #tpu.memory_space<semaphore_mem>>)
    %dma_start3A_77 = tpu.memref_slice %arg3[%add3A_74] : memref<1600000xi32, #tpu.memory_space<hbm>> -> memref<10000xi32, #tpu.memory_space<hbm>>
    %dma_start3A_78 = tpu.memref_slice %arg3[%add3A_74] : memref<1600000xi32, #tpu.memory_space<hbm>> -> memref<10000xi32, #tpu.memory_space<hbm>>
    tpu.enqueue_dma source(%dma_start3A_78 : memref<10000xi32, #tpu.memory_space<hbm>>) target(%arg9 : memref<10000xi32, #tpu.memory_space<vmem>>) target_semaphore(%arg22 : memref<!tpu.dma_semaphore, #tpu.memory_space<semaphore_mem>>)
    %dma_wait3A_79 = tpu.memref_slice %arg2[%add3A_48] : memref<1600000xi32, #tpu.memory_space<hbm>> -> memref<10000xi32, #tpu.memory_space<hbm>>
    %dma_wait3A_80 = tpu.memref_slice %arg2[%add3A_48] : memref<1600000xi32, #tpu.memory_space<hbm>> -> memref<10000xi32, #tpu.memory_space<hbm>>
    tpu.wait_dma2 semaphore(%arg21 : memref<!tpu.dma_semaphore, #tpu.memory_space<semaphore_mem>>) src(%dma_wait3A_80 : memref<10000xi32, #tpu.memory_space<hbm>>) dst(%arg10 : memref<10000xi32, #tpu.memory_space<vmem>>)
    %dma_wait3A_81 = tpu.memref_slice %arg3[%add3A_48] : memref<1600000xi32, #tpu.memory_space<hbm>> -> memref<10000xi32, #tpu.memory_space<hbm>>
    %dma_wait3A_82 = tpu.memref_slice %arg3[%add3A_48] : memref<1600000xi32, #tpu.memory_space<hbm>> -> memref<10000xi32, #tpu.memory_space<hbm>>
    tpu.wait_dma2 semaphore(%arg21 : memref<!tpu.dma_semaphore, #tpu.memory_space<semaphore_mem>>) src(%dma_wait3A_82 : memref<10000xi32, #tpu.memory_space<hbm>>) dst(%arg8 : memref<10000xi32, #tpu.memory_space<vmem>>)
    %dma_start3A_83 = arith.constant 0 : i32
    %dma_start3A_84 = tpu.memref_slice %arg17[%dma_start3A_83] : memref<100352xf32, #tpu.memory_space<vmem_shared>> -> memref<100352xf32, #tpu.memory_space<vmem_shared>>
    tpu.enqueue_indirect_dma source(%dma_start3A_84 : memref<100352xf32, #tpu.memory_space<vmem_shared>>) target(%arg12 : memref<10000xf32, #tpu.memory_space<vmem>>) offsets(%arg10 : memref<10000xi32, #tpu.memory_space<vmem>>) semaphore(%arg23 : memref<!tpu.dma_semaphore, #tpu.memory_space<semaphore_mem>>)
    %dma_start3A_85 = arith.constant 0 : i32
    %dma_start3A_86 = tpu.memref_slice %arg18[%dma_start3A_85] : memref<100352xf32, #tpu.memory_space<vmem_shared>> -> memref<100352xf32, #tpu.memory_space<vmem_shared>>
    tpu.enqueue_indirect_dma source(%dma_start3A_86 : memref<100352xf32, #tpu.memory_space<vmem_shared>>) target(%arg14 : memref<10000xf32, #tpu.memory_space<vmem>>) offsets(%arg8 : memref<10000xi32, #tpu.memory_space<vmem>>) semaphore(%arg25 : memref<!tpu.dma_semaphore, #tpu.memory_space<semaphore_mem>>)
    %dma_wait3A_87 = arith.constant 0 : i32
    %dma_wait3A_88 = tpu.memref_slice %arg17[%dma_wait3A_87] : memref<100352xf32, #tpu.memory_space<vmem_shared>> -> memref<100352xf32, #tpu.memory_space<vmem_shared>>
    tpu.wait_indirect_dma semaphore(%arg23 : memref<!tpu.dma_semaphore, #tpu.memory_space<semaphore_mem>>) src(%dma_wait3A_88 : memref<100352xf32, #tpu.memory_space<vmem_shared>>) dst(%arg12 : memref<10000xf32, #tpu.memory_space<vmem>>)
    %dma_start3A_89 = arith.constant 0 : i32
    %dma_start3A_90 = tpu.memref_slice %arg19[%dma_start3A_89] : memref<100352xf32, #tpu.memory_space<vmem_shared>> -> memref<100352xf32, #tpu.memory_space<vmem_shared>>
    tpu.enqueue_indirect_dma source(%arg12 : memref<10000xf32, #tpu.memory_space<vmem>>) target(%dma_start3A_90 : memref<100352xf32, #tpu.memory_space<vmem_shared>>) offsets(%arg8 : memref<10000xi32, #tpu.memory_space<vmem>>) semaphore(%arg27 : memref<!tpu.dma_semaphore, #tpu.memory_space<semaphore_mem>>) {add = true}
    %dma_wait3A_91 = arith.constant 0 : i32
    %dma_wait3A_92 = tpu.memref_slice %arg18[%dma_wait3A_91] : memref<100352xf32, #tpu.memory_space<vmem_shared>> -> memref<100352xf32, #tpu.memory_space<vmem_shared>>
    tpu.wait_indirect_dma semaphore(%arg25 : memref<!tpu.dma_semaphore, #tpu.memory_space<semaphore_mem>>) src(%dma_wait3A_92 : memref<100352xf32, #tpu.memory_space<vmem_shared>>) dst(%arg14 : memref<10000xf32, #tpu.memory_space<vmem>>)
    %dma_start3A_93 = arith.constant 0 : i32
    %dma_start3A_94 = tpu.memref_slice %arg20[%dma_start3A_93] : memref<100352xf32, #tpu.memory_space<vmem_shared>> -> memref<100352xf32, #tpu.memory_space<vmem_shared>>
    tpu.enqueue_indirect_dma source(%arg14 : memref<10000xf32, #tpu.memory_space<vmem>>) target(%dma_start3A_94 : memref<100352xf32, #tpu.memory_space<vmem_shared>>) offsets(%arg10 : memref<10000xi32, #tpu.memory_space<vmem>>) semaphore(%arg29 : memref<!tpu.dma_semaphore, #tpu.memory_space<semaphore_mem>>) {add = true}
    %dma_wait3A_95 = arith.constant 0 : i32
    %dma_wait3A_96 = tpu.memref_slice %arg19[%dma_wait3A_95] : memref<100352xf32, #tpu.memory_space<vmem_shared>> -> memref<100352xf32, #tpu.memory_space<vmem_shared>>
    tpu.wait_indirect_dma semaphore(%arg27 : memref<!tpu.dma_semaphore, #tpu.memory_space<semaphore_mem>>) src(%arg12 : memref<10000xf32, #tpu.memory_space<vmem>>) dst(%dma_wait3A_96 : memref<100352xf32, #tpu.memory_space<vmem_shared>>)
    %dma_wait3A_97 = arith.constant 0 : i32
    %dma_wait3A_98 = tpu.memref_slice %arg20[%dma_wait3A_97] : memref<100352xf32, #tpu.memory_space<vmem_shared>> -> memref<100352xf32, #tpu.memory_space<vmem_shared>>
    tpu.wait_indirect_dma semaphore(%arg29 : memref<!tpu.dma_semaphore, #tpu.memory_space<semaphore_mem>>) src(%arg14 : memref<10000xf32, #tpu.memory_space<vmem>>) dst(%dma_wait3A_98 : memref<100352xf32, #tpu.memory_space<vmem_shared>>)
    %add3A_99 = arith.constant 40000 : i32
    %add3A_100 = arith.addi %mul3A_16, %add3A_99 : i32
    %dma_start3A_101 = tpu.memref_slice %arg2[%add3A_100] : memref<1600000xi32, #tpu.memory_space<hbm>> -> memref<10000xi32, #tpu.memory_space<hbm>>
    %dma_start3A_102 = tpu.memref_slice %arg2[%add3A_100] : memref<1600000xi32, #tpu.memory_space<hbm>> -> memref<10000xi32, #tpu.memory_space<hbm>>
    tpu.enqueue_dma source(%dma_start3A_102 : memref<10000xi32, #tpu.memory_space<hbm>>) target(%arg10 : memref<10000xi32, #tpu.memory_space<vmem>>) target_semaphore(%arg21 : memref<!tpu.dma_semaphore, #tpu.memory_space<semaphore_mem>>)
    %dma_start3A_103 = tpu.memref_slice %arg3[%add3A_100] : memref<1600000xi32, #tpu.memory_space<hbm>> -> memref<10000xi32, #tpu.memory_space<hbm>>
    %dma_start3A_104 = tpu.memref_slice %arg3[%add3A_100] : memref<1600000xi32, #tpu.memory_space<hbm>> -> memref<10000xi32, #tpu.memory_space<hbm>>
    tpu.enqueue_dma source(%dma_start3A_104 : memref<10000xi32, #tpu.memory_space<hbm>>) target(%arg8 : memref<10000xi32, #tpu.memory_space<vmem>>) target_semaphore(%arg21 : memref<!tpu.dma_semaphore, #tpu.memory_space<semaphore_mem>>)
    %dma_wait3A_105 = tpu.memref_slice %arg2[%add3A_74] : memref<1600000xi32, #tpu.memory_space<hbm>> -> memref<10000xi32, #tpu.memory_space<hbm>>
    %dma_wait3A_106 = tpu.memref_slice %arg2[%add3A_74] : memref<1600000xi32, #tpu.memory_space<hbm>> -> memref<10000xi32, #tpu.memory_space<hbm>>
    tpu.wait_dma2 semaphore(%arg22 : memref<!tpu.dma_semaphore, #tpu.memory_space<semaphore_mem>>) src(%dma_wait3A_106 : memref<10000xi32, #tpu.memory_space<hbm>>) dst(%arg11 : memref<10000xi32, #tpu.memory_space<vmem>>)
    %dma_wait3A_107 = tpu.memref_slice %arg3[%add3A_74] : memref<1600000xi32, #tpu.memory_space<hbm>> -> memref<10000xi32, #tpu.memory_space<hbm>>
    %dma_wait3A_108 = tpu.memref_slice %arg3[%add3A_74] : memref<1600000xi32, #tpu.memory_space<hbm>> -> memref<10000xi32, #tpu.memory_space<hbm>>
    tpu.wait_dma2 semaphore(%arg22 : memref<!tpu.dma_semaphore, #tpu.memory_space<semaphore_mem>>) src(%dma_wait3A_108 : memref<10000xi32, #tpu.memory_space<hbm>>) dst(%arg9 : memref<10000xi32, #tpu.memory_space<vmem>>)
    %dma_start3A_109 = arith.constant 0 : i32
    %dma_start3A_110 = tpu.memref_slice %arg17[%dma_start3A_109] : memref<100352xf32, #tpu.memory_space<vmem_shared>> -> memref<100352xf32, #tpu.memory_space<vmem_shared>>
    tpu.enqueue_indirect_dma source(%dma_start3A_110 : memref<100352xf32, #tpu.memory_space<vmem_shared>>) target(%arg13 : memref<10000xf32, #tpu.memory_space<vmem>>) offsets(%arg11 : memref<10000xi32, #tpu.memory_space<vmem>>) semaphore(%arg24 : memref<!tpu.dma_semaphore, #tpu.memory_space<semaphore_mem>>)
    %dma_start3A_111 = arith.constant 0 : i32
    %dma_start3A_112 = tpu.memref_slice %arg18[%dma_start3A_111] : memref<100352xf32, #tpu.memory_space<vmem_shared>> -> memref<100352xf32, #tpu.memory_space<vmem_shared>>
    tpu.enqueue_indirect_dma source(%dma_start3A_112 : memref<100352xf32, #tpu.memory_space<vmem_shared>>) target(%arg15 : memref<10000xf32, #tpu.memory_space<vmem>>) offsets(%arg9 : memref<10000xi32, #tpu.memory_space<vmem>>) semaphore(%arg26 : memref<!tpu.dma_semaphore, #tpu.memory_space<semaphore_mem>>)
    %dma_wait3A_113 = arith.constant 0 : i32
    %dma_wait3A_114 = tpu.memref_slice %arg17[%dma_wait3A_113] : memref<100352xf32, #tpu.memory_space<vmem_shared>> -> memref<100352xf32, #tpu.memory_space<vmem_shared>>
    tpu.wait_indirect_dma semaphore(%arg24 : memref<!tpu.dma_semaphore, #tpu.memory_space<semaphore_mem>>) src(%dma_wait3A_114 : memref<100352xf32, #tpu.memory_space<vmem_shared>>) dst(%arg13 : memref<10000xf32, #tpu.memory_space<vmem>>)
    %dma_start3A_115 = arith.constant 0 : i32
    %dma_start3A_116 = tpu.memref_slice %arg19[%dma_start3A_115] : memref<100352xf32, #tpu.memory_space<vmem_shared>> -> memref<100352xf32, #tpu.memory_space<vmem_shared>>
    tpu.enqueue_indirect_dma source(%arg13 : memref<10000xf32, #tpu.memory_space<vmem>>) target(%dma_start3A_116 : memref<100352xf32, #tpu.memory_space<vmem_shared>>) offsets(%arg9 : memref<10000xi32, #tpu.memory_space<vmem>>) semaphore(%arg28 : memref<!tpu.dma_semaphore, #tpu.memory_space<semaphore_mem>>) {add = true}
    %dma_wait3A_117 = arith.constant 0 : i32
    %dma_wait3A_118 = tpu.memref_slice %arg18[%dma_wait3A_117] : memref<100352xf32, #tpu.memory_space<vmem_shared>> -> memref<100352xf32, #tpu.memory_space<vmem_shared>>
    tpu.wait_indirect_dma semaphore(%arg26 : memref<!tpu.dma_semaphore, #tpu.memory_space<semaphore_mem>>) src(%dma_wait3A_118 : memref<100352xf32, #tpu.memory_space<vmem_shared>>) dst(%arg15 : memref<10000xf32, #tpu.memory_space<vmem>>)
    %dma_start3A_119 = arith.constant 0 : i32
    %dma_start3A_120 = tpu.memref_slice %arg20[%dma_start3A_119] : memref<100352xf32, #tpu.memory_space<vmem_shared>> -> memref<100352xf32, #tpu.memory_space<vmem_shared>>
    tpu.enqueue_indirect_dma source(%arg15 : memref<10000xf32, #tpu.memory_space<vmem>>) target(%dma_start3A_120 : memref<100352xf32, #tpu.memory_space<vmem_shared>>) offsets(%arg11 : memref<10000xi32, #tpu.memory_space<vmem>>) semaphore(%arg30 : memref<!tpu.dma_semaphore, #tpu.memory_space<semaphore_mem>>) {add = true}
    %dma_wait3A_121 = tpu.memref_slice %arg2[%add3A_100] : memref<1600000xi32, #tpu.memory_space<hbm>> -> memref<10000xi32, #tpu.memory_space<hbm>>
    %dma_wait3A_122 = tpu.memref_slice %arg2[%add3A_100] : memref<1600000xi32, #tpu.memory_space<hbm>> -> memref<10000xi32, #tpu.memory_space<hbm>>
    tpu.wait_dma2 semaphore(%arg21 : memref<!tpu.dma_semaphore, #tpu.memory_space<semaphore_mem>>) src(%dma_wait3A_122 : memref<10000xi32, #tpu.memory_space<hbm>>) dst(%arg10 : memref<10000xi32, #tpu.memory_space<vmem>>)
    %dma_wait3A_123 = tpu.memref_slice %arg3[%add3A_100] : memref<1600000xi32, #tpu.memory_space<hbm>> -> memref<10000xi32, #tpu.memory_space<hbm>>
    %dma_wait3A_124 = tpu.memref_slice %arg3[%add3A_100] : memref<1600000xi32, #tpu.memory_space<hbm>> -> memref<10000xi32, #tpu.memory_space<hbm>>
    tpu.wait_dma2 semaphore(%arg21 : memref<!tpu.dma_semaphore, #tpu.memory_space<semaphore_mem>>) src(%dma_wait3A_124 : memref<10000xi32, #tpu.memory_space<hbm>>) dst(%arg8 : memref<10000xi32, #tpu.memory_space<vmem>>)
    %dma_start3A_125 = arith.constant 0 : i32
    %dma_start3A_126 = tpu.memref_slice %arg17[%dma_start3A_125] : memref<100352xf32, #tpu.memory_space<vmem_shared>> -> memref<100352xf32, #tpu.memory_space<vmem_shared>>
    tpu.enqueue_indirect_dma source(%dma_start3A_126 : memref<100352xf32, #tpu.memory_space<vmem_shared>>) target(%arg12 : memref<10000xf32, #tpu.memory_space<vmem>>) offsets(%arg10 : memref<10000xi32, #tpu.memory_space<vmem>>) semaphore(%arg23 : memref<!tpu.dma_semaphore, #tpu.memory_space<semaphore_mem>>)
    %dma_start3A_127 = arith.constant 0 : i32
    %dma_start3A_128 = tpu.memref_slice %arg18[%dma_start3A_127] : memref<100352xf32, #tpu.memory_space<vmem_shared>> -> memref<100352xf32, #tpu.memory_space<vmem_shared>>
    tpu.enqueue_indirect_dma source(%dma_start3A_128 : memref<100352xf32, #tpu.memory_space<vmem_shared>>) target(%arg14 : memref<10000xf32, #tpu.memory_space<vmem>>) offsets(%arg8 : memref<10000xi32, #tpu.memory_space<vmem>>) semaphore(%arg25 : memref<!tpu.dma_semaphore, #tpu.memory_space<semaphore_mem>>)
    %dma_wait3A_129 = arith.constant 0 : i32
    %dma_wait3A_130 = tpu.memref_slice %arg17[%dma_wait3A_129] : memref<100352xf32, #tpu.memory_space<vmem_shared>> -> memref<100352xf32, #tpu.memory_space<vmem_shared>>
    tpu.wait_indirect_dma semaphore(%arg23 : memref<!tpu.dma_semaphore, #tpu.memory_space<semaphore_mem>>) src(%dma_wait3A_130 : memref<100352xf32, #tpu.memory_space<vmem_shared>>) dst(%arg12 : memref<10000xf32, #tpu.memory_space<vmem>>)
    %dma_start3A_131 = arith.constant 0 : i32
    %dma_start3A_132 = tpu.memref_slice %arg19[%dma_start3A_131] : memref<100352xf32, #tpu.memory_space<vmem_shared>> -> memref<100352xf32, #tpu.memory_space<vmem_shared>>
    tpu.enqueue_indirect_dma source(%arg12 : memref<10000xf32, #tpu.memory_space<vmem>>) target(%dma_start3A_132 : memref<100352xf32, #tpu.memory_space<vmem_shared>>) offsets(%arg8 : memref<10000xi32, #tpu.memory_space<vmem>>) semaphore(%arg27 : memref<!tpu.dma_semaphore, #tpu.memory_space<semaphore_mem>>) {add = true}
    %dma_wait3A_133 = arith.constant 0 : i32
    %dma_wait3A_134 = tpu.memref_slice %arg18[%dma_wait3A_133] : memref<100352xf32, #tpu.memory_space<vmem_shared>> -> memref<100352xf32, #tpu.memory_space<vmem_shared>>
    tpu.wait_indirect_dma semaphore(%arg25 : memref<!tpu.dma_semaphore, #tpu.memory_space<semaphore_mem>>) src(%dma_wait3A_134 : memref<100352xf32, #tpu.memory_space<vmem_shared>>) dst(%arg14 : memref<10000xf32, #tpu.memory_space<vmem>>)
    %dma_start3A_135 = arith.constant 0 : i32
    %dma_start3A_136 = tpu.memref_slice %arg20[%dma_start3A_135] : memref<100352xf32, #tpu.memory_space<vmem_shared>> -> memref<100352xf32, #tpu.memory_space<vmem_shared>>
    tpu.enqueue_indirect_dma source(%arg14 : memref<10000xf32, #tpu.memory_space<vmem>>) target(%dma_start3A_136 : memref<100352xf32, #tpu.memory_space<vmem_shared>>) offsets(%arg10 : memref<10000xi32, #tpu.memory_space<vmem>>) semaphore(%arg29 : memref<!tpu.dma_semaphore, #tpu.memory_space<semaphore_mem>>) {add = true}
    %dma_wait3A_137 = arith.constant 0 : i32
    %dma_wait3A_138 = tpu.memref_slice %arg19[%dma_wait3A_137] : memref<100352xf32, #tpu.memory_space<vmem_shared>> -> memref<100352xf32, #tpu.memory_space<vmem_shared>>
    tpu.wait_indirect_dma semaphore(%arg27 : memref<!tpu.dma_semaphore, #tpu.memory_space<semaphore_mem>>) src(%arg12 : memref<10000xf32, #tpu.memory_space<vmem>>) dst(%dma_wait3A_138 : memref<100352xf32, #tpu.memory_space<vmem_shared>>)
    %dma_wait3A_139 = arith.constant 0 : i32
    %dma_wait3A_140 = tpu.memref_slice %arg19[%dma_wait3A_139] : memref<100352xf32, #tpu.memory_space<vmem_shared>> -> memref<100352xf32, #tpu.memory_space<vmem_shared>>
    tpu.wait_indirect_dma semaphore(%arg28 : memref<!tpu.dma_semaphore, #tpu.memory_space<semaphore_mem>>) src(%arg13 : memref<10000xf32, #tpu.memory_space<vmem>>) dst(%dma_wait3A_140 : memref<100352xf32, #tpu.memory_space<vmem_shared>>)
    %dma_wait3A_141 = arith.constant 0 : i32
    %dma_wait3A_142 = tpu.memref_slice %arg20[%dma_wait3A_141] : memref<100352xf32, #tpu.memory_space<vmem_shared>> -> memref<100352xf32, #tpu.memory_space<vmem_shared>>
    tpu.wait_indirect_dma semaphore(%arg29 : memref<!tpu.dma_semaphore, #tpu.memory_space<semaphore_mem>>) src(%arg14 : memref<10000xf32, #tpu.memory_space<vmem>>) dst(%dma_wait3A_142 : memref<100352xf32, #tpu.memory_space<vmem_shared>>)
    %dma_wait3A_143 = arith.constant 0 : i32
    %dma_wait3A_144 = tpu.memref_slice %arg20[%dma_wait3A_143] : memref<100352xf32, #tpu.memory_space<vmem_shared>> -> memref<100352xf32, #tpu.memory_space<vmem_shared>>
    tpu.wait_indirect_dma semaphore(%arg30 : memref<!tpu.dma_semaphore, #tpu.memory_space<semaphore_mem>>) src(%arg15 : memref<10000xf32, #tpu.memory_space<vmem>>) dst(%dma_wait3A_144 : memref<100352xf32, #tpu.memory_space<vmem_shared>>)
    %barrier3A_145 = arith.constant 0 : index
    tpu.barrier barrier_id(%barrier3A_145)
    "tpu.region"() ({
      %run_scoped3A = tpu.sem_alloc : memref<!tpu.dma_semaphore, #tpu.memory_space<semaphore_mem>>
      %dma_start3A_146 = tpu.memref_slice %arg6[%arg0, %mul3A_0] : memref<2x100352xf32, #tpu.memory_space<hbm>> -> memref<1x6272xf32, #tpu.memory_space<hbm>>
      %dma_start3A_147 = tpu.memref_squeeze %dma_start3A_146 : memref<1x6272xf32, #tpu.memory_space<hbm>> -> memref<6272xf32, #tpu.memory_space<hbm>>
      %dma_start3A_148 = tpu.memref_slice %arg19[%mul3A_0] : memref<100352xf32, #tpu.memory_space<vmem_shared>> -> memref<6272xf32, #tpu.memory_space<vmem_shared>>
      tpu.enqueue_dma source(%dma_start3A_148 : memref<6272xf32, #tpu.memory_space<vmem_shared>>) target(%dma_start3A_147 : memref<6272xf32, #tpu.memory_space<hbm>>) target_semaphore(%run_scoped3A : memref<!tpu.dma_semaphore, #tpu.memory_space<semaphore_mem>>)
      %dma_wait3A_149 = tpu.memref_slice %arg6[%arg0, %mul3A_0] : memref<2x100352xf32, #tpu.memory_space<hbm>> -> memref<1x6272xf32, #tpu.memory_space<hbm>>
      %dma_wait3A_150 = tpu.memref_squeeze %dma_wait3A_149 : memref<1x6272xf32, #tpu.memory_space<hbm>> -> memref<6272xf32, #tpu.memory_space<hbm>>
      %dma_wait3A_151 = tpu.memref_slice %arg19[%mul3A_0] : memref<100352xf32, #tpu.memory_space<vmem_shared>> -> memref<6272xf32, #tpu.memory_space<vmem_shared>>
      tpu.wait_dma2 semaphore(%run_scoped3A : memref<!tpu.dma_semaphore, #tpu.memory_space<semaphore_mem>>) src(%dma_wait3A_151 : memref<6272xf32, #tpu.memory_space<vmem_shared>>) dst(%dma_wait3A_150 : memref<6272xf32, #tpu.memory_space<hbm>>)
      tpu.yield
    }) : () -> ()
    "tpu.region"() ({
      %run_scoped3A = tpu.sem_alloc : memref<!tpu.dma_semaphore, #tpu.memory_space<semaphore_mem>>
      %dma_start3A_146 = tpu.memref_slice %arg7[%arg0, %mul3A_0] : memref<2x100352xf32, #tpu.memory_space<hbm>> -> memref<1x6272xf32, #tpu.memory_space<hbm>>
      %dma_start3A_147 = tpu.memref_squeeze %dma_start3A_146 : memref<1x6272xf32, #tpu.memory_space<hbm>> -> memref<6272xf32, #tpu.memory_space<hbm>>
      %dma_start3A_148 = tpu.memref_slice %arg20[%mul3A_0] : memref<100352xf32, #tpu.memory_space<vmem_shared>> -> memref<6272xf32, #tpu.memory_space<vmem_shared>>
      tpu.enqueue_dma source(%dma_start3A_148 : memref<6272xf32, #tpu.memory_space<vmem_shared>>) target(%dma_start3A_147 : memref<6272xf32, #tpu.memory_space<hbm>>) target_semaphore(%run_scoped3A : memref<!tpu.dma_semaphore, #tpu.memory_space<semaphore_mem>>)
      %dma_wait3A_149 = tpu.memref_slice %arg7[%arg0, %mul3A_0] : memref<2x100352xf32, #tpu.memory_space<hbm>> -> memref<1x6272xf32, #tpu.memory_space<hbm>>
      %dma_wait3A_150 = tpu.memref_squeeze %dma_wait3A_149 : memref<1x6272xf32, #tpu.memory_space<hbm>> -> memref<6272xf32, #tpu.memory_space<hbm>>
      %dma_wait3A_151 = tpu.memref_slice %arg20[%mul3A_0] : memref<100352xf32, #tpu.memory_space<vmem_shared>> -> memref<6272xf32, #tpu.memory_space<vmem_shared>>
      tpu.wait_dma2 semaphore(%run_scoped3A : memref<!tpu.dma_semaphore, #tpu.memory_space<semaphore_mem>>) src(%dma_wait3A_151 : memref<6272xf32, #tpu.memory_space<vmem_shared>>) dst(%dma_wait3A_150 : memref<6272xf32, #tpu.memory_space<hbm>>)
      tpu.yield
    }) : () -> ()
    return
  }
}

module attributes {stable_mosaic.version = 14 : i64} {
  func.func @_norm_body(%arg0: memref<2x100352xf32, #tpu.memory_space<vmem>>, %arg1: memref<1x100352xf32, #tpu.memory_space<vmem>>, %arg2: memref<100352xf32, #tpu.memory_space<vmem>>, %arg3: memref<100352xf32, #tpu.memory_space<vmem>>, %arg4: memref<1x100352xf32, #tpu.memory_space<vmem>>) attributes {dimension_semantics = [], scalar_prefetch = 0 : i64, scratch_operands = 0 : i64, tpu.core_type = #tpu.core_type<tc>} {
    %get3A = arith.constant 0 : index
    %get3A_0 = arith.constant 0 : index
    %get3A_1 = vector.load %arg0[%get3A, %get3A_0] : memref<2x100352xf32, #tpu.memory_space<vmem>>, vector<1x100352xf32>
    %get3A_2 = arith.constant 1 : index
    %get3A_3 = arith.constant 0 : index
    %get3A_4 = vector.load %arg0[%get3A_2, %get3A_3] : memref<2x100352xf32, #tpu.memory_space<vmem>>, vector<1x100352xf32>
    %add3A = arith.addf %get3A_1, %get3A_4 : vector<1x100352xf32>
    %add3A_5 = arith.constant 1.000000e+00 : f32
    %add3A_6 = vector.broadcast %add3A_5 : f32 to vector<1x100352xf32>
    %add3A_7 = arith.addf %add3A, %add3A_6 : vector<1x100352xf32>
    %iota3A = tpu.iota {dimensions = array<i32: 1>} : vector<1x100352xi32>
    %lt3A = arith.constant 100000 : i32
    %lt3A_8 = vector.broadcast %lt3A : i32 to vector<1x100352xi32>
    %lt3A_9 = arith.cmpi slt, %iota3A, %lt3A_8 : vector<1x100352xi32>
    %rsqrt3A = math.rsqrt %add3A_7 : vector<1x100352xf32>
    %jit3A = arith.constant 0.000000e+00 : f32
    %broadcast_in_dim3A = vector.broadcast %jit3A : f32 to vector<1x100352xf32>
    %select_n3A = arith.select %lt3A_9, %rsqrt3A, %broadcast_in_dim3A : vector<1x100352xi1>, vector<1x100352xf32>
    %squeeze3A = vector.shape_cast %select_n3A : vector<1x100352xf32> to vector<100352xf32>
    %swap3A = arith.constant 0 : index
    %swap3A_10 = vector.load %arg3[%swap3A] : memref<100352xf32, #tpu.memory_space<vmem>>, vector<100352xf32>
    tpu.vector_store %arg3[%swap3A], %squeeze3A {strides = array<i32>} : memref<100352xf32, #tpu.memory_space<vmem>>, vector<100352xf32>,
    %swap3A_11 = arith.constant 0 : index
    %swap3A_12 = arith.constant 0 : index
    %swap3A_13 = vector.load %arg4[%swap3A_11, %swap3A_12] : memref<1x100352xf32, #tpu.memory_space<vmem>>, vector<1x100352xf32>
    tpu.vector_store %arg4[%swap3A_11, %swap3A_12], %select_n3A {strides = array<i32>} : memref<1x100352xf32, #tpu.memory_space<vmem>>, vector<1x100352xf32>,
    %get3A_14 = arith.constant 0 : index
    %get3A_15 = arith.constant 0 : index
    %get3A_16 = vector.load %arg1[%get3A_14, %get3A_15] : memref<1x100352xf32, #tpu.memory_space<vmem>>, vector<1x100352xf32>
    %mul3A = arith.mulf %select_n3A, %get3A_16 : vector<1x100352xf32>
    %squeeze3A_17 = vector.shape_cast %mul3A : vector<1x100352xf32> to vector<100352xf32>
    %swap3A_18 = arith.constant 0 : index
    %swap3A_19 = vector.load %arg2[%swap3A_18] : memref<100352xf32, #tpu.memory_space<vmem>>, vector<100352xf32>
    tpu.vector_store %arg2[%swap3A_18], %squeeze3A_17 {strides = array<i32>} : memref<100352xf32, #tpu.memory_space<vmem>>, vector<100352xf32>,
    return
  }
}

module attributes {stable_mosaic.version = 14 : i64} {
  func.func @_split_body(%arg0: memref<2x1600000xi32, #tpu.memory_space<vmem>>, %arg1: memref<1600000xi32, #tpu.memory_space<vmem>>, %arg2: memref<1600000xi32, #tpu.memory_space<vmem>>) attributes {dimension_semantics = [], scalar_prefetch = 0 : i64, scratch_operands = 0 : i64, tpu.core_type = #tpu.core_type<tc>} {
    %get3A = arith.constant 0 : index
    %get3A_0 = arith.constant 0 : index
    %get3A_1 = vector.load %arg0[%get3A, %get3A_0] : memref<2x1600000xi32, #tpu.memory_space<vmem>>, vector<1x1600000xi32>
    %get3A_2 = vector.shape_cast %get3A_1 : vector<1x1600000xi32> to vector<1600000xi32>
    %swap3A = arith.constant 0 : index
    %swap3A_3 = vector.load %arg1[%swap3A] : memref<1600000xi32, #tpu.memory_space<vmem>>, vector<1600000xi32>
    tpu.vector_store %arg1[%swap3A], %get3A_2 {strides = array<i32>} : memref<1600000xi32, #tpu.memory_space<vmem>>, vector<1600000xi32>,
    %get3A_4 = arith.constant 1 : index
    %get3A_5 = arith.constant 0 : index
    %get3A_6 = vector.load %arg0[%get3A_4, %get3A_5] : memref<2x1600000xi32, #tpu.memory_space<vmem>>, vector<1x1600000xi32>
    %get3A_7 = vector.shape_cast %get3A_6 : vector<1x1600000xi32> to vector<1600000xi32>
    %swap3A_8 = arith.constant 0 : index
    %swap3A_9 = vector.load %arg2[%swap3A_8] : memref<1600000xi32, #tpu.memory_space<vmem>>, vector<1600000xi32>
    tpu.vector_store %arg2[%swap3A_8], %get3A_7 {strides = array<i32>} : memref<1600000xi32, #tpu.memory_space<vmem>>, vector<1600000xi32>,
    return
  }
}

module attributes {stable_mosaic.version = 14 : i64} {
  func.func @_dense_body(%arg0: i32, %arg1: memref<2x7168xf32, #tpu.memory_space<vmem>>, %arg2: memref<2x7168xf32, #tpu.memory_space<vmem>>, %arg3: memref<1x7168xf32, #tpu.memory_space<vmem>>, %arg4: memref<1x7168xf32, #tpu.memory_space<vmem>>, %arg5: memref<128x1xf32, #tpu.memory_space<vmem>>, %arg6: memref<128x1xf32, #tpu.memory_space<vmem>>, %arg7: memref<128x400xf32, #tpu.memory_space<vmem>>, %arg8: memref<1x400xf32, #tpu.memory_space<vmem>>, %arg9: memref<1x400xf32, #tpu.memory_space<vmem>>, %arg10: memref<128x1xf32, #tpu.memory_space<vmem>>) attributes {dimension_semantics = [#tpu.dimension_semantics<arbitrary>], iteration_bounds = array<i64: 14>, scalar_prefetch = 0 : i64, scratch_operands = 1 : i64, tpu.core_type = #tpu.core_type<tc>, window_params = [{transform_indices = @transform_0, window_bounds = array<i64: 2, 7168>}, {transform_indices = @transform_1, window_bounds = array<i64: 2, 7168>}, {transform_indices = @transform_2, window_bounds = array<i64: 1, 7168>}, {transform_indices = @transform_3, window_bounds = array<i64: 1, 7168>}, {pipeline_mode = #tpu.pipeline_mode<synchronous>, transform_indices = @transform_4, window_bounds = array<i64: 128, 1>}, {pipeline_mode = #tpu.pipeline_mode<synchronous>, transform_indices = @transform_5, window_bounds = array<i64: 128, 1>}, {pipeline_mode = #tpu.pipeline_mode<synchronous>, transform_indices = @transform_6, window_bounds = array<i64: 128, 400>}, {pipeline_mode = #tpu.pipeline_mode<synchronous>, transform_indices = @transform_7, window_bounds = array<i64: 1, 400>}, {pipeline_mode = #tpu.pipeline_mode<synchronous>, transform_indices = @transform_8, window_bounds = array<i64: 1, 400>}]} {
    %get3A = arith.constant 0 : index
    %get3A_0 = arith.constant 0 : index
    %get3A_1 = vector.load %arg3[%get3A, %get3A_0] : memref<1x7168xf32, #tpu.memory_space<vmem>>, vector<1x7168xf32>
    %get3A_2 = arith.constant 0 : index
    %get3A_3 = arith.constant 0 : index
    %get3A_4 = vector.load %arg1[%get3A_2, %get3A_3] : memref<2x7168xf32, #tpu.memory_space<vmem>>, vector<1x7168xf32>
    %get3A_5 = arith.constant 1 : index
    %get3A_6 = arith.constant 0 : index
    %get3A_7 = vector.load %arg1[%get3A_5, %get3A_6] : memref<2x7168xf32, #tpu.memory_space<vmem>>, vector<1x7168xf32>
    %add3A = arith.addf %get3A_4, %get3A_7 : vector<1x7168xf32>
    %get3A_8 = arith.constant 0 : index
    %get3A_9 = arith.constant 0 : index
    %get3A_10 = vector.load %arg2[%get3A_8, %get3A_9] : memref<2x7168xf32, #tpu.memory_space<vmem>>, vector<1x7168xf32>
    %get3A_11 = arith.constant 1 : index
    %get3A_12 = arith.constant 0 : index
    %get3A_13 = vector.load %arg2[%get3A_11, %get3A_12] : memref<2x7168xf32, #tpu.memory_space<vmem>>, vector<1x7168xf32>
    %add3A_14 = arith.addf %get3A_10, %get3A_13 : vector<1x7168xf32>
    %mul3A = arith.mulf %get3A_1, %add3A : vector<1x7168xf32>
    %mul3A_15 = arith.mulf %get3A_1, %get3A_1 : vector<1x7168xf32>
    %get3A_16 = arith.constant 0 : index
    %get3A_17 = arith.constant 0 : index
    %get3A_18 = vector.load %arg4[%get3A_16, %get3A_17] : memref<1x7168xf32, #tpu.memory_space<vmem>>, vector<1x7168xf32>
    %mul3A_19 = arith.mulf %mul3A_15, %get3A_18 : vector<1x7168xf32>
    %add3A_20 = arith.addf %mul3A, %mul3A_19 : vector<1x7168xf32>
    %mul3A_21 = arith.mulf %get3A_1, %add3A_14 : vector<1x7168xf32>
    %mul3A_22 = arith.mulf %get3A_1, %get3A_1 : vector<1x7168xf32>
    %add3A_23 = arith.addf %mul3A_21, %mul3A_22 : vector<1x7168xf32>
    %get3A_24 = arith.constant 0 : index
    %get3A_25 = arith.constant 0 : index
    %get3A_26 = vector.load %arg5[%get3A_24, %get3A_25] : memref<128x1xf32, #tpu.memory_space<vmem>>, vector<128x1xf32>
    %mul3A_27 = vector.broadcast %get3A_26 : vector<128x1xf32> to vector<128x7168xf32>
    %mul3A_28 = vector.broadcast %add3A_20 : vector<1x7168xf32> to vector<128x7168xf32>
    %mul3A_29 = arith.mulf %mul3A_27, %mul3A_28 : vector<128x7168xf32>
    %get3A_30 = arith.constant 0 : index
    %get3A_31 = arith.constant 0 : index
    %get3A_32 = vector.load %arg6[%get3A_30, %get3A_31] : memref<128x1xf32, #tpu.memory_space<vmem>>, vector<128x1xf32>
    %add3A_33 = vector.broadcast %get3A_32 : vector<128x1xf32> to vector<128x7168xf32>
    %add3A_34 = arith.addf %mul3A_29, %add3A_33 : vector<128x7168xf32>
    %max3A = arith.constant 0.000000e+00 : f32
    %max3A_35 = vector.broadcast %max3A : f32 to vector<128x7168xf32>
    %max3A_36 = arith.maximumf %add3A_34, %max3A_35 : vector<128x7168xf32>
    %dot_general3A = arith.constant dense<0.000000e+00> : vector<128x1xf32>
    %dot_general3A_37 = tpu.matmul %max3A_36, %add3A_23, %dot_general3A {dimension_numbers = #tpu.dot_dimension_numbers<[1], [1], [0], [0], [0, 0, 1, 0], [], []>, transpose_lhs_hint = false} : vector<128x7168xf32>, vector<1x7168xf32>, vector<128x1xf32> -> vector<128x1xf32>
    %eq3A = arith.constant 0 : i32
    %eq3A_38 = arith.cmpi eq, %arg0, %eq3A : i32
    %convert_element_type3A = arith.extui %eq3A_38 : i1 to i32
    %cond3A = arith.constant 0 : i32
    %cond3A_39 = arith.cmpi ne, %convert_element_type3A, %cond3A : i32
    scf.if %cond3A_39 {
      %broadcast_in_dim3A = arith.constant 0.000000e+00 : f32
      %broadcast_in_dim3A_51 = vector.broadcast %broadcast_in_dim3A : f32 to vector<128x1xf32>
      %swap3A_52 = arith.constant 0 : index
      %swap3A_53 = arith.constant 0 : index
      %swap3A_54 = vector.load %arg10[%swap3A_52, %swap3A_53] : memref<128x1xf32, #tpu.memory_space<vmem>>, vector<128x1xf32>
      tpu.vector_store %arg10[%swap3A_52, %swap3A_53], %broadcast_in_dim3A_51 {strides = array<i32>} : memref<128x1xf32, #tpu.memory_space<vmem>>, vector<128x1xf32>,
    } else {
    }
    %get3A_40 = arith.constant 0 : index
    %get3A_41 = arith.constant 0 : index
    %get3A_42 = vector.load %arg10[%get3A_40, %get3A_41] : memref<128x1xf32, #tpu.memory_space<vmem>>, vector<128x1xf32>
    %add3A_43 = arith.addf %get3A_42, %dot_general3A_37 : vector<128x1xf32>
    %swap3A = arith.constant 0 : index
    %swap3A_44 = arith.constant 0 : index
    %swap3A_45 = vector.load %arg10[%swap3A, %swap3A_44] : memref<128x1xf32, #tpu.memory_space<vmem>>, vector<128x1xf32>
    tpu.vector_store %arg10[%swap3A, %swap3A_44], %add3A_43 {strides = array<i32>} : memref<128x1xf32, #tpu.memory_space<vmem>>, vector<128x1xf32>,
    %eq3A_46 = arith.constant 13 : i32
    %eq3A_47 = arith.cmpi eq, %arg0, %eq3A_46 : i32
    %convert_element_type3A_48 = arith.extui %eq3A_47 : i1 to i32
    %cond3A_49 = arith.constant 0 : i32
    %cond3A_50 = arith.cmpi ne, %convert_element_type3A_48, %cond3A_49 : i32
    scf.if %cond3A_50 {
      %get3A_51 = arith.constant 0 : index
      %get3A_52 = arith.constant 0 : index
      %get3A_53 = vector.load %arg10[%get3A_51, %get3A_52] : memref<128x1xf32, #tpu.memory_space<vmem>>, vector<128x1xf32>
      %mul3A_54 = arith.constant 9.99999974E-6 : f32
      %mul3A_55 = vector.broadcast %mul3A_54 : f32 to vector<128x1xf32>
      %mul3A_56 = arith.mulf %get3A_53, %mul3A_55 : vector<128x1xf32>
      %get3A_57 = arith.constant 0 : index
      %get3A_58 = arith.constant 0 : index
      %get3A_59 = vector.load %arg7[%get3A_57, %get3A_58] : memref<128x400xf32, #tpu.memory_space<vmem>>, vector<128x400xf32>
      %dot_general3A_60 = arith.constant dense<0.000000e+00> : vector<1x400xf32>
      %dot_general3A_61 = tpu.matmul %mul3A_56, %get3A_59, %dot_general3A_60 {dimension_numbers = #tpu.dot_dimension_numbers<[0], [0], [1], [1], [0, 1, 1, 1], [], []>, transpose_lhs_hint = false} : vector<128x1xf32>, vector<128x400xf32>, vector<1x400xf32> -> vector<1x400xf32>
      %get3A_62 = arith.constant 0 : index
      %get3A_63 = arith.constant 0 : index
      %get3A_64 = vector.load %arg8[%get3A_62, %get3A_63] : memref<1x400xf32, #tpu.memory_space<vmem>>, vector<1x400xf32>
      %add3A_65 = arith.addf %dot_general3A_61, %get3A_64 : vector<1x400xf32>
      %swap3A_66 = arith.constant 0 : index
      %swap3A_67 = arith.constant 0 : index
      %swap3A_68 = vector.load %arg9[%swap3A_66, %swap3A_67] : memref<1x400xf32, #tpu.memory_space<vmem>>, vector<1x400xf32>
      tpu.vector_store %arg9[%swap3A_66, %swap3A_67], %add3A_65 {strides = array<i32>} : memref<1x400xf32, #tpu.memory_space<vmem>>, vector<1x400xf32>,
    } else {
    }
    return
  }
  func.func @transform_0(%arg0: i32) -> (i32, i32) {
    %c0_i32 = arith.constant 0 : i32
    %c0_i32_0 = arith.constant 0 : i32
    return %c0_i32, %arg0 : i32, i32
  }
  func.func @transform_1(%arg0: i32) -> (i32, i32) {
    %c0_i32 = arith.constant 0 : i32
    %c0_i32_0 = arith.constant 0 : i32
    return %c0_i32, %arg0 : i32, i32
  }
  func.func @transform_2(%arg0: i32) -> (i32, i32) {
    %c0_i32 = arith.constant 0 : i32
    %c0_i32_0 = arith.constant 0 : i32
    return %c0_i32, %arg0 : i32, i32
  }
  func.func @transform_3(%arg0: i32) -> (i32, i32) {
    %c0_i32 = arith.constant 0 : i32
    %c0_i32_0 = arith.constant 0 : i32
    return %c0_i32, %arg0 : i32, i32
  }
  func.func @transform_4(%arg0: i32) -> (i32, i32) {
    %c0_i32 = arith.constant 0 : i32
    %c0_i32_0 = arith.constant 0 : i32
    %c0_i32_1 = arith.constant 0 : i32
    return %c0_i32, %c0_i32_0 : i32, i32
  }
  func.func @transform_5(%arg0: i32) -> (i32, i32) {
    %c0_i32 = arith.constant 0 : i32
    %c0_i32_0 = arith.constant 0 : i32
    %c0_i32_1 = arith.constant 0 : i32
    return %c0_i32, %c0_i32_0 : i32, i32
  }
  func.func @transform_6(%arg0: i32) -> (i32, i32) {
    %c0_i32 = arith.constant 0 : i32
    %c0_i32_0 = arith.constant 0 : i32
    %c0_i32_1 = arith.constant 0 : i32
    return %c0_i32, %c0_i32_0 : i32, i32
  }
  func.func @transform_7(%arg0: i32) -> (i32, i32) {
    %c0_i32 = arith.constant 0 : i32
    %c0_i32_0 = arith.constant 0 : i32
    %c0_i32_1 = arith.constant 0 : i32
    return %c0_i32, %c0_i32_0 : i32, i32
  }
  func.func @transform_8(%arg0: i32) -> (i32, i32) {
    %c0_i32 = arith.constant 0 : i32
    %c0_i32_0 = arith.constant 0 : i32
    %c0_i32_1 = arith.constant 0 : i32
    return %c0_i32, %c0_i32_0 : i32, i32
  }
}

</mosaic_0001>

<sc_bundles>
// kernel: kernel.10.cloned.1.call-start
scs
__scs_entry_jumppad:
0x0: {  	(pc) =	sbr.rel $0x88, $3  }
0x1: {  	(tag) =	ssettag $0x0;
	lr =	simm.s32 $0x1  }
0x2: {  	[smem:$0x3F9B] =	sst lr;
	_ =	strace $0xD0000000  }
0x3: {  	_ = 	snop  }
0x4: {  	_ = 	snop  }
0x5: {  	_ = 	snop  }
0x6: {  	_ = 	snop  }
0x7: {  	_ = 	snop  }
__scs_overlays_trampoline_lowered:
0x8: {  	[smem:$0x3FAA] =	sst s0  }
0x9: {  	[smem:$0x3FAB] =	sst s1  }
0xa: {  	[smem:$0x3FAC] =	sst s2  }
0xb: {  	[smem:$0x3FAD] =	sst s3  }
0xc: {  	[smem:$0x3FAE] =	sst s4  }
0xd: {  	[smem:$0x3FAF] =	sst s5  }
0xe: {  	[smem:$0x3FB0] =	sst s6  }
0xf: {  	[smem:$0x3FB1] =	sst s7  }
0x10: {  	[smem:$0x3FB2] =	sst s8  }
0x11: {  	[smem:$0x3FB3] =	sst s9;
	s0 =	simm.s32 @!p0 $0x0  }
0x12: {  	s1 =	sld [smem:$0x3F99];
	s0 =	simm.s32 @p0 $0x1  }
0x13: {  	[smem:$0x3FB4] =	sst s0;
	s0 =	simm.s32 @!p1 $0x0  }
0x14: {  	s2 =	sld [smem:$0x3F98];
	s0 =	simm.s32 @p1 $0x1  }
0x15: {  	[smem:$0x3FB5] =	sst s0;
	s0 =	simm.s32 @!p2 $0x0  }
0x16: {  	s3 =	sld [smem:$0x3FDB];
	s0 =	simm.s32 @p2 $0x1  }
0x17: {  	s4 =	simm.s32 $0x1BF5;
	[smem:$0x3FB7] =	sst s0  }
0x18: {  	s0 =	sld [smem:$0x3F9A];
	_ =	swait.ge [sflag:s4], $0x0  }
0x19: {  	s7 =	sld [smem:$0x3F9B]  }
0x1a: {  	s8 =	sadd.s32 $0xFFFFE003, lr  }
0x1b: {  	s9 =	sadd.s32 $0xFFFFFEF7, lr;
	s5 =	simm.s32 $0xFFFFFFFF;
	p2 =	slt.u32 s8, $0xFFFFF086  }
0x1c: {  	p1 =	slt.u32 s9, $0xF7A;
	s5 =	simm.s32 @!p2 $0x0  }
0x1d: {  	s5 =	simm.s32 @p1 $0x1;
	p0 =	seq.s32 s7, s2  }
0x1e: {  	s7 =	smul.u32 @!p0 $0xF7A, s2;
	p2 =	seq.s32 @!p0 s5, $0x0  }
0x1f: {  	s9 =	smul.u32 $0xF7A, s1;
	s8 =	simm.s32 @!p0 $0x1BF5;
	p2 =	por !p2, p0  }
0x20: {  	[sflag:s8] =	ssyncset.s32 @!p0 $0xFFFFF086;
	s6 =	sadd.s32 @!p0 s3, s7;
	s7 =	simm.s32 @!p0 $0x108  }
0x21: {  	s3 =	sadd.s32 s3, s9;
	s6 =	sadd.s32 @!p0 $0x88, s6;
	s7 =	simm.s32 @p2 $0x1082  }
0x22: {  	[simem:s7], [sflag:s8] =	dma.local @!p0 [hbm:s6], $0xF7A  }
0x23: {  	s9 =	sor.u32 $0xD0000000, s2;
	s6 =	simm.s32 $0x108;
	_ =	swait.ge @!p0 [sflag:s8], $0x0  }
0x24: {  	s3 =	sadd.s32 $0x88, s3;
	s6 =	simm.s32 @!p1 $0x1082;
	[sflag:s4] =	ssyncset.s32 $0xFFFFF086  }
0x25: {  	[simem:s6], [sflag:s4] =	dma.local [hbm:s3], $0xF7A  }
0x26: {  	[smem:$0x3F9B] =	sst s1;
	(tag) =	ssettag s2;
	_ =	strace s9  }
0x27: {  	s1 =	sld [smem:$0x3FAB]  }
0x28: {  	s2 =	sld [smem:$0x3FAC]  }
0x29: {  	s4 =	sld [smem:$0x3FAE]  }
0x2a: {  	p0 =	seq.s32 s5, $0x0;
	s5 =	sld [smem:$0x3FAF]  }
0x2b: {  	s6 =	sld [smem:$0x3FB0]  }
0x2c: {  	s7 =	sld [smem:$0x3FB1]  }
0x2d: {  	s3 =	simm.s32 $0x108;
	s8 =	sld [smem:$0x3FB2]  }
0x2e: {  	s3 =	simm.s32 @!p0 $0x1082;
	s9 =	sld [smem:$0x3FB3]  }
0x2f: {  	lr =	sadd.s32 s0, s3;
	s0 =	sld [smem:$0x3FAA]  }
0x30: {  	s3 =	sld [smem:$0x3FAD]  }
0x31: {  	[smem:$0x3FB6] =	sst s10  }
0x32: {  	s10 =	sld [smem:$0x3FB4];
	_ =	sdelay $0x3  }
0x33: {  	p0 =	seq.s32 s10, $0x1;
	s10 =	sld [smem:$0x3FB6];
	_ =	sdelay $0x3  }
0x34: {  	[smem:$0x3FB6] =	sst s10  }
0x35: {  	s10 =	sld [smem:$0x3FB5];
	_ =	sdelay $0x3  }
0x36: {  	p1 =	seq.s32 s10, $0x1;
	s10 =	sld [smem:$0x3FB6];
	_ =	sdelay $0x3  }
0x37: {  	[smem:$0x3FB6] =	sst s10  }
0x38: {  	s10 =	sld [smem:$0x3FB7]  }
0x39: {  	_ = 	snop;
	(pc) =	sbr.ind lr, $3  }
0x3a: {  	_ = 	snop  }
0x3b: {  	_ = 	snop  }
0x3c: {  	p2 =	seq.s32 s10, $0x1;
	s10 =	sld [smem:$0x3FB6]  }
0x3d: {  	_ =	shalt  }
0x3e: {  	_ =	shalt  }
0x3f: {  	_ =	shalt  }
0x40: {  	_ =	shalt  }
0x41: {  	_ =	shalt  }
0x42: {  	_ =	shalt  }
0x43: {  	_ =	shalt  }
0x44: {  	_ =	shalt  }
0x45: {  	_ =	shalt  }
0x46: {  	_ =	shalt  }
0x47: {  	_ =	shalt  }
0x48: {  	_ =	shalt  }
0x49: {  	_ =	shalt  }
0x4a: {  	_ =	shalt  }
0x4b: {  	_ =	shalt  }
0x4c: {  	_ =	shalt  }
0x4d: {  	_ =	shalt  }
0x4e: {  	_ =	shalt  }
0x4f: {  	_ =	shalt  }
0x50: {  	_ =	shalt  }
0x51: {  	_ =	shalt  }
0x52: {  	_ =	shalt  }
0x53: {  	_ =	shalt  }
0x54: {  	_ =	shalt  }
0x55: {  	_ =	shalt  }
0x56: {  	_ =	shalt  }
0x57: {  	_ =	shalt  }
0x58: {  	_ =	shalt  }
0x59: {  	_ =	shalt  }
0x5a: {  	_ =	shalt  }
0x5b: {  	_ =	shalt  }
0x5c: {  	_ =	shalt  }
0x5d: {  	_ =	shalt  }
0x5e: {  	_ =	shalt  }
0x5f: {  	_ =	shalt  }
0x60: {  	_ =	shalt  }
0x61: {  	_ =	shalt  }
0x62: {  	_ =	shalt  }
0x63: {  	_ =	shalt  }
0x64: {  	_ =	shalt  }
0x65: {  	_ =	shalt  }
0x66: {  	_ =	shalt  }
0x67: {  	_ =	shalt  }
0x68: {  	_ =	shalt  }
0x69: {  	_ =	shalt  }
0x6a: {  	_ =	shalt  }
0x6b: {  	_ =	shalt  }
0x6c: {  	_ =	shalt  }
0x6d: {  	_ =	shalt  }
0x6e: {  	_ =	shalt  }
0x6f: {  	_ =	shalt  }
0x70: {  	_ =	shalt  }
0x71: {  	_ =	shalt  }
0x72: {  	_ =	shalt  }
0x73: {  	_ =	shalt  }
0x74: {  	_ =	shalt  }
0x75: {  	_ =	shalt  }
0x76: {  	_ =	shalt  }
0x77: {  	_ =	shalt  }
0x78: {  	_ =	shalt  }
0x79: {  	_ =	shalt  }
0x7a: {  	_ =	shalt  }
0x7b: {  	_ =	shalt  }
0x7c: {  	_ =	shalt  }
0x7d: {  	_ =	shalt  }
0x7e: {  	_ =	shalt  }
0x7f: {  	_ =	shalt  }
0x80: {  	_ =	shalt  }
0x81: {  	_ =	shalt  }
0x82: {  	_ =	shalt  }
0x83: {  	_ =	shalt  }
0x84: {  	_ =	shalt  }
0x85: {  	_ =	shalt  }
0x86: {  	_ =	shalt  }
0x87: {  	_ =	shalt  }
.Lfunc_end0:
.L_simem_size_0:
called_computation.1_lowered:
.L_overlay_start_0:
0x88: {  	s2 =	sld [smem:$0x3FD9]  }
0x89: {  	s3 =	sld [smem:$0x3FFE];
	_ =	sdelay $0x1  }
0x8a: {  	s1 =	srdreg.scid  }
0x8b: {  	s0 =	sand.u32 $0x1, s1  }
0x8c: {  	s16 =	sshll.u32 s0, $0xA;
	s2 =	sadd.s32 s3, s2  }
0x8d: {  	s2 =	sadd.s32 s2, s16  }
0x8e: {  	[smem:$0x3FC2] =	sst s2  }
0x8f: {  	_ = 	snop  }
0x90: {  	(tm) =	ssettm $0x1  }
0x91: {  	s17 =	sld [smem:$0x3FFB];
	_ =	sdelay $0x3  }
0x92: {  	_ =	strace s17  }
0x93: {  	s2 =	sld [smem:$0x3FFC];
	_ =	sdelay $0x3  }
0x94: {  	_ =	strace s2  }
0x95: {  	s2 =	sld [smem:$0x3FFD];
	_ =	sdelay $0x3  }
0x96: {  	_ =	strace s2  }
0x97: {  	_ =	strace $0x8FFFFFFF  }
0x98: {  	s18 =	sld [smem:$0x3FDB];
	_ =	sdelay $0x1  }
0x99: {  	s19 =	simm.s32 $_scs_section_size  }
0x9a: {  	s4 =	simm.s32 $_size__tile_overlayer_lowered;
	s5 =	simm.s32 $_tile_overlayer_lowered  }
0x9b: {  	s22 =	simm.s32 $0x1BFF;
	s21 =	sshll.u32 s5, $0x1;
	s2 =	sadd.s32 s19, s18  }
0x9c: {  	s6 =	simm.s32 $0x0;
	s20 =	sshll.u32 s4, $0x1;
	s4 =	sadd.s32 s21, s2  }
0x9d: {  	[timem:s6], [sflag:s22] =	dma.local [hbm:s4], s20  }
0x9e: {  	_ =	swait.ge [sflag:s22], s20  }
0x9f: {  	s3 =	ssub.s32 $0x0, s20;
	[sflag:s22] =	ssyncset.done $0x0  }
0xa0: {  	[sflag:s22] =	ssyncadd.s32 s3;
	_ =	sdelay $0x1  }
0xa1: {  	s23 =	simm.s32 $0x1B8B  }
0xa2: {  	_ =	swait.ge [sflag:s23], $0x1  }
0xa3: {  	[sflag:s23] =	ssyncset.done $0x0  }
0xa4: {  	s25 =	simm.s32 $0x1B8E;
	s24 =	sld [smem:$0x3FFE];
	[sflag:s23] =	ssyncadd.s32 $0xFFFFFFFF  }
0xa5: {  	s26 =	simm.s32 $execute0_lowered;
	[smem:$0x3FD2] =	sst s25  }
0xa6: {  	s4 =	sshll.u32 s26, $0x1;
	_ =	strace $0x80000049;
	[dreg:$0x1] =	wrdreg $0xFFFFFFFF  }
0xa7: {  	s28 =	simm.s32 $_size_execute0_lowered;
	s2 =	sadd.s32 s2, s4;
	[dreg:$0x0] =	wrdreg $0x0  }
0xa8: {  	s4 =	sshll.u32 s28, $0x1;
	[dreg:$0x2] =	wrdreg s2  }
0xa9: {  	[dreg:$0x3] =	wrdreg s4  }
0xaa: {  	[dreg:$0x4] =	wrdreg $0xC0  }
0xab: {  	_ =	task [dreg:s6], $0x5FFFF  }
0xac: {  	[dreg:$0x1] =	wrdreg $0xFFFFFFFF  }
0xad: {  	[dreg:$0x0] =	wrdreg $0x60  }
0xae: {  	[dreg:$0x2] =	wrdreg s24  }
0xaf: {  	[dreg:$0x3] =	wrdreg $0x154800  }
0xb0: {  	[dreg:$0x4] =	wrdreg $0x16D000  }
0xb1: {  	[dreg:$0x5] =	wrdreg $0x185800  }
0xb2: {  	[dreg:$0x6] =	wrdreg $0x19E000  }
0xb3: {  	[dreg:$0x7] =	wrdreg $0x9  }
0xb4: {  	_ =	task.clear_ibuf [dreg:s6], $0x8FFFF;
	_ =	strace $0x90000049  }
0xb5: {  	s29 =	simm.s32 $0x9;
	_ =	strace $0x8000004B  }
0xb6: {  	_ =	swait.ge [sflag:s29], $0x1  }
0xb7: {  	[sflag:s29] =	ssyncadd.s32 $0xFFFFFFFF  }
0xb8: {  	_ =	strace $0x9000004B  }
0xb9: {  	_ =	sfence  }
0xba: {  	s30 =	sld [smem:$0x0];
	_ =	sdelay $0x2  }
0xbb: {  	s31 =	sshll.u32 s1, $0xD;
	s1 =	sshrl.u32 s1, $0x2  }
0xbc: {  	s3 =	sand.u32 $0x4000, s31;
	s1 =	sadd.s32 s1, s30  }
0xbd: {  	s0 =	sor.u32 s3, s0;
	s1 =	sshll.u32 s1, $0x11  }
0xbe: {  	s0 =	sor.u32 s1, s0  }
0xbf: {  	s0 =	sadd.s32 $0x8F2B, s0  }
0xc0: {  	[sflag:s0] =	ssyncadd.remote.s32 $0x1  }
0xc1: {  	_ =	sfence.sel $0xFFFF  }
0xc2: {  	[dreg:$0x0] =	wrdreg $0xFFFFFFFF;
	(pc) =	sbr.abs _section_cstart, $3  }
0xc3: {  	[dreg:$0x1] =	wrdreg $0xFFFFFFFF  }
0xc4: {  	_ =	task.clear_ibuf [dreg:s6], $0x2FFFF;
	_ =	strace $0x9FFFFFFF  }
0xc5: {  	(tm) =	ssettm $0x7FFFFFFF  }
tec
execute0_lowered:
.L_overlay_start_1:
0x0: {  	(tag) =	ssettag $0x1  }
0x1: {  	s0 =	rddreg [dreg:$0x0]  }
0x2: {  	s1 =	rddreg [dreg:$0x1]  }
0x3: {  	s2 =	rddreg [dreg:$0x2]  }
0x4: {  	s4 =	rddreg [dreg:$0x3]  }
0x5: {  	s5 =	rddreg [dreg:$0x4]  }
0x6: {  	s6 =	simm.s32 $0x0;
	s16 =	stileid.u32;
	s8 =	srdreg.scid  }
0x7: {  	s30 =	simm.s32 $0xB;
	s31 =	simm.s32 $0x3;
	[smem:$0x7FF] =	sst s6  }
0x8: {  	s3 =	smul.u32 $0x1880, s16;
	s7 =	sadd.s32 $0x33200, s0;
	s8 =	sand.u32 $0x1, s8  }
0x9: {  	s10 =	smul.u32 $0x3100, s16;
	s11 =	sadd.s32 $0x2400, s0;
	_ =	strace $0x8000004A  }
0xa: {  	s12 =	sshll.u32 s8, $0x7;
	s26 =	ssub.s32 $0x2, s8;
	s8 =	sshll.u32 s8, $0x4  }
0xb: {  	s9 =	sshrl.u32 s3, $0x3;
	s10 =	sor.u32 s12, s10;
	s13 =	sshrl.u32 s26, $0x1  }
0xc: {  	s8 =	sor.u32 s16, s8;
	s28 =	sadd.s32 s3, s1;
	s14 =	sadd.s32 s3, s2  }
0xd: {  	s1 =	sadd.s32 s3, s4;
	s3 =	sadd.s32 s3, s5;
	s9 =	sadd.s32 s9, s0  }
0xe: {  	s10 =	sshrl.u32 s10, $0x3;
	s12 =	ssub.s32 s26, s13;
	[dreg:$0x18] =	wrdreg s1  }
0xf: {  	s8 =	smul.u32 $0xC350, s8;
	[dreg:$0x19] =	wrdreg s3;
	s26 =	sshrl.u32 s28, $0x3  }
0x10: {  	s28 =	sshrl.u32 s14, $0x3;
	s13 =	simm.s32 $0x9E00;
	[dreg:$0x15] =	wrdreg s26  }
0x11: {  	s14 =	simm.s32 $0xED00;
	s29 =	sadd.s32 $0x64000, s9;
	[dreg:$0x16] =	wrdreg s28  }
0x12: {  	s0 =	sadd.s32 s10, s0;
	s9 =	sadd.s32 $0x67200, s9;
	[dreg:$0x6] =	wrdreg s29  }
0x13: {  	s25 =	smax.u32 s12, $0x1;
	s26 =	sshll.u32 s16, $0x6;
	[dreg:$0x7] =	wrdreg s9  }
0x14: {  	s12 =	simm.s32 $0x2710;
	s24 =	sadd.s32 $0x6A400, s0;
	[dreg:$0x14] =	wrdreg s25  }
0x15: {  	s16 =	simm.s32 $0x9;
	s0 =	sadd.s32 $0x70600, s0;
	[dreg:$0x12] =	wrdreg s24  }
0x16: {  	s8 =	sshrl.u32 s8, $0x3;
	s29 =	sor.u32 $0x1C03, s26;
	[dreg:$0x13] =	wrdreg s0  }
0x17: {  	s25 =	simm.s32 $0x0;
	s9 =	sadd.s32 s7, s8;
	[dreg:$0x17] =	wrdreg s29  }
0x18: {  	s10 =	sadd.s32 $0x4E2, s8;
	s15 =	sadd.s32 s11, s8;
	[dreg:$0x8] =	wrdreg s9  }
0x19: {  	s18 =	sadd.s32 $0x9C4, s8;
	[dreg:$0x9] =	wrdreg s15;
	s17 =	sadd.s32 s7, s10  }
0x1a: {  	s20 =	sadd.s32 $0xEA6, s8;
	s3 =	sadd.s32 s11, s10;
	[dreg:$0xa] =	wrdreg s17  }
0x1b: {  	s8 =	sadd.s32 $0x1388, s8;
	s19 =	sadd.s32 s7, s18;
	[dreg:$0xb] =	wrdreg s3  }
0x1c: {  	s0 =	simm.s32 $0x5;
	s15 =	sadd.s32 s11, s18;
	[dreg:$0xc] =	wrdreg s19  }
0x1d: {  	s21 =	sadd.s32 s7, s20;
	s22 =	sadd.s32 s7, s8;
	[dreg:$0xd] =	wrdreg s15  }
0x1e: {  	s23 =	sadd.s32 s11, s8;
	s7 =	simm.s32 $0x7680;
	[dreg:$0xe] =	wrdreg s21  }
0x1f: {  	s8 =	simm.s32 $0x2780;
	s18 =	simm.s32 $0xC580;
	[dreg:$0x10] =	wrdreg s22  }
0x20: {  	s3 =	sadd.s32 s11, s20;
	[dreg:$0x11] =	wrdreg s23;
	s11 =	simm.s32 $0x1  }
0x21: {  	s15 =	simm.s32 $0x7;
	s17 =	simm.s32 $0x2;
	s19 =	simm.s32 $0x11480  }
0x22: {  	s20 =	simm.s32 $0x4;
	s21 =	simm.s32 $0x6;
	s22 =	simm.s32 $0x8  }
0x23: {  	v0 =	vimm.f32 $0.0e+00;
	s23 =	simm.s32 $0xA;
	[dreg:$0xf] =	wrdreg s3;
	s3 =	simm.s32 $0x4F00  }
.LBB2_1:
0x24: {  	s24 =	rddreg [dreg:$0x6]  }
0x25: {  	s28 =	rddreg [dreg:$0x15]  }
0x26: {  	s29 =	rddreg [dreg:$0x17]  }
0x27: {  	[spmem:s28], [sflag:s29] =	dma.local [hbm:s24], $0x310  }
0x28: {  	s28 =	rddreg [dreg:$0x7]  }
0x29: {  	s10 =	sor.u32 $0x1C05, s26;
	s29 =	rddreg [dreg:$0x16]  }
0x2a: {  	[spmem:s29], [sflag:s10] =	dma.local [hbm:s28], $0x310  }
0x2b: {  	s24 =	simm.s32 $0x0;
	s28 =	simm.s32 $0x40  }
.LBB2_2:
0x2c: {  	p0 =	sne.s32 s28, $0x61C0;
	[tilespmem:s24+$0x13C00] =	vst v0;
	s24 =	smov.u32 s28;
	s28 =	sadd.s32 $0x40, s28  }
.Ltmp0:
0x2d: {  	(pc) =	sbr.rel @p0 .LBB2_2-.Ltmp0, $2  }
0x2e: {  	_ =	sdelay $0x2  }
0x2f: {  	s24 =	sshra.s32 s24, $0x2  }
0x30: {  	[tilespmem:s24+$0x13C00] =	vst v0;
	s29 =	simm.s32 $0x13C00;
	s9 =	rddreg [dreg:$0x18]  }
0x31: {  	[spmem:s9] =	stream.linear.scatter [tilespmem:s29], [sflag:$0xB], $0x1880, $0x38;
	[tilespmem:$0x1B680] =	vst v63  }
0x32: {  	_ =	swait.ge [sflag:s30], $0x1880  }
0x33: {  	[sflag:s30] =	ssyncset.done $0x0  }
0x34: {  	s1 =	rddreg [dreg:$0x19];
	[sflag:s30] =	ssyncadd.s32 $0xFFFFE780  }
0x35: {  	[spmem:s1] =	stream.linear.scatter [tilespmem:s29], [sflag:$0xB], $0x1880, $0x38;
	[tilespmem:$0x1B680] =	vst v63  }
0x36: {  	_ =	swait.ge [sflag:s30], $0x1880  }
0x37: {  	[sflag:s30] =	ssyncset.done $0x0  }
0x38: {  	[sflag:s30] =	ssyncadd.s32 $0xFFFFE780  }
0x39: {  	_ =	swait.ge [sflag:s31], $0x310  }
0x3a: {  	[sflag:s31] =	ssyncset.done $0x0  }
0x3b: {  	[sflag:s31] =	ssyncadd.s32 $0xFFFFFCF0  }
0x3c: {  	_ =	swait.ge [sflag:s0], $0x310  }
0x3d: {  	[sflag:s0] =	ssyncset.done $0x0  }
0x3e: {  	[sflag:s0] =	ssyncadd.s32 $0xFFFFFCF0  }
0x3f: {  	[bflag:$0x0] =	sbarrier.arrive $0xFFFF  }
0x40: {  	s10 =	rddreg [dreg:$0x8]  }
0x41: {  	[tilespmem:s3], [sflag:$0x1] =	stream.linear.gather [hbm4b:s10+s6], $0x2710, $0x38;
	[tilespmem:$0x1B680] =	vst v63  }
0x42: {  	s28 =	rddreg [dreg:$0x9]  }
0x43: {  	[tilespmem:s6], [sflag:$0x1] =	stream.linear.gather [hbm4b:s28+s6], $0x2710, $0x38;
	[tilespmem:$0x1B680] =	vst v63  }
0x44: {  	s29 =	rddreg [dreg:$0xa]  }
0x45: {  	[tilespmem:s7], [sflag:$0x2] =	stream.linear.gather [hbm4b:s29+s6], $0x2710, $0x38;
	[tilespmem:$0x1B680] =	vst v63  }
0x46: {  	s10 =	rddreg [dreg:$0xb]  }
0x47: {  	[tilespmem:s8], [sflag:$0x2] =	stream.linear.gather [hbm4b:s10+s6], $0x2710, $0x38;
	[tilespmem:$0x1B680] =	vst v63  }
0x48: {  	_ =	swait.ge [sflag:s11], $0x2710  }
0x49: {  	[sflag:s11] =	ssyncset.done $0x0  }
0x4a: {  	[sflag:s11] =	ssyncadd.s32 $0xFFFFD8F0  }
0x4b: {  	_ =	swait.ge [sflag:s11], $0x2710  }
0x4c: {  	[sflag:s11] =	ssyncset.done $0x0  }
0x4d: {  	[sflag:s11] =	ssyncadd.s32 $0xFFFFD8F0  }
0x4e: {  	s10 =	rddreg [dreg:$0x1]  }
0x4f: {  	[tilespmem:s13], [sflag:$0x3] =	stream.indirect.gather [spmem:s10], $0x1, s3, s12, $0xb8;
	[tilespmem:$0x1B680] =	vst v63  }
0x50: {  	_ = 	snop  }
0x51: {  	[tilespmem:s14], [sflag:$0x5] =	stream.indirect.gather [spmem:s2], $0x1, s6, s12, $0xb8;
	[tilespmem:$0x1B680] =	vst v63  }
0x52: {  	_ =	swait.ge [sflag:s31], $0x2710  }
0x53: {  	[sflag:s31] =	ssyncset.done $0x0  }
0x54: {  	[sflag:s31] =	ssyncadd.s32 $0xFFFFD8F0  }
0x55: {  	[spmem:s4] =	stream.indirect.scatter.add.f32 [tilespmem:s13], [sflag:$0x7], $0x1, s6, s12, $0xb8;
	[tilespmem:$0x1B680] =	vst v63  }
0x56: {  	_ =	swait.ge [sflag:s0], $0x2710  }
0x57: {  	[sflag:s0] =	ssyncset.done $0x0  }
0x58: {  	[sflag:s0] =	ssyncadd.s32 $0xFFFFD8F0  }
0x59: {  	[spmem:s5] =	stream.indirect.scatter.add.f32 [tilespmem:s14], [sflag:$0x9], $0x1, s3, s12, $0xb8;
	[tilespmem:$0x1B680] =	vst v63  }
0x5a: {  	_ =	swait.ge [sflag:s15], $0x2710  }
0x5b: {  	[sflag:s15] =	ssyncset.done $0x0  }
0x5c: {  	[sflag:s15] =	ssyncadd.s32 $0xFFFFD8F0  }
0x5d: {  	_ =	swait.ge [sflag:s16], $0x2710  }
0x5e: {  	[sflag:s16] =	ssyncset.done $0x0  }
0x5f: {  	s28 =	rddreg [dreg:$0xc];
	[sflag:s16] =	ssyncadd.s32 $0xFFFFD8F0  }
0x60: {  	[tilespmem:s3], [sflag:$0x1] =	stream.linear.gather [hbm4b:s28+s6], $0x2710, $0x38;
	[tilespmem:$0x1B680] =	vst v63  }
0x61: {  	s29 =	rddreg [dreg:$0xd]  }
0x62: {  	[tilespmem:s6], [sflag:$0x1] =	stream.linear.gather [hbm4b:s29+s6], $0x2710, $0x38;
	[tilespmem:$0x1B680] =	vst v63  }
0x63: {  	_ =	swait.ge [sflag:s17], $0x2710  }
0x64: {  	[sflag:s17] =	ssyncset.done $0x0  }
0x65: {  	[sflag:s17] =	ssyncadd.s32 $0xFFFFD8F0  }
0x66: {  	_ =	swait.ge [sflag:s17], $0x2710  }
0x67: {  	[sflag:s17] =	ssyncset.done $0x0  }
0x68: {  	[sflag:s17] =	ssyncadd.s32 $0xFFFFD8F0  }
0x69: {  	[tilespmem:s18], [sflag:$0x4] =	stream.indirect.gather [spmem:s10], $0x1, s7, s12, $0xb8;
	[tilespmem:$0x1B680] =	vst v63  }
0x6a: {  	_ = 	snop  }
0x6b: {  	[tilespmem:s19], [sflag:$0x6] =	stream.indirect.gather [spmem:s2], $0x1, s8, s12, $0xb8;
	[tilespmem:$0x1B680] =	vst v63  }
0x6c: {  	_ =	swait.ge [sflag:s20], $0x2710  }
0x6d: {  	[sflag:s20] =	ssyncset.done $0x0  }
0x6e: {  	[sflag:s20] =	ssyncadd.s32 $0xFFFFD8F0  }
0x6f: {  	[spmem:s4] =	stream.indirect.scatter.add.f32 [tilespmem:s18], [sflag:$0x8], $0x1, s8, s12, $0xb8;
	[tilespmem:$0x1B680] =	vst v63  }
0x70: {  	_ =	swait.ge [sflag:s21], $0x2710  }
0x71: {  	[sflag:s21] =	ssyncset.done $0x0  }
0x72: {  	[sflag:s21] =	ssyncadd.s32 $0xFFFFD8F0  }
0x73: {  	[spmem:s5] =	stream.indirect.scatter.add.f32 [tilespmem:s19], [sflag:$0xA], $0x1, s7, s12, $0xb8;
	[tilespmem:$0x1B680] =	vst v63  }
0x74: {  	_ =	swait.ge [sflag:s22], $0x2710  }
0x75: {  	[sflag:s22] =	ssyncset.done $0x0  }
0x76: {  	[sflag:s22] =	ssyncadd.s32 $0xFFFFD8F0  }
0x77: {  	_ =	swait.ge [sflag:s23], $0x2710  }
0x78: {  	[sflag:s23] =	ssyncset.done $0x0  }
0x79: {  	s28 =	rddreg [dreg:$0xe];
	[sflag:s23] =	ssyncadd.s32 $0xFFFFD8F0  }
0x7a: {  	[tilespmem:s7], [sflag:$0x2] =	stream.linear.gather [hbm4b:s28+s6], $0x2710, $0x38;
	[tilespmem:$0x1B680] =	vst v63  }
0x7b: {  	s29 =	rddreg [dreg:$0xf]  }
0x7c: {  	[tilespmem:s8], [sflag:$0x2] =	stream.linear.gather [hbm4b:s29+s6], $0x2710, $0x38;
	[tilespmem:$0x1B680] =	vst v63  }
0x7d: {  	_ =	swait.ge [sflag:s11], $0x2710  }
0x7e: {  	[sflag:s11] =	ssyncset.done $0x0  }
0x7f: {  	[sflag:s11] =	ssyncadd.s32 $0xFFFFD8F0  }
0x80: {  	_ =	swait.ge [sflag:s11], $0x2710  }
0x81: {  	[sflag:s11] =	ssyncset.done $0x0  }
0x82: {  	[sflag:s11] =	ssyncadd.s32 $0xFFFFD8F0  }
0x83: {  	[tilespmem:s13], [sflag:$0x3] =	stream.indirect.gather [spmem:s10], $0x1, s3, s12, $0xb8;
	[tilespmem:$0x1B680] =	vst v63  }
0x84: {  	_ = 	snop  }
0x85: {  	[tilespmem:s14], [sflag:$0x5] =	stream.indirect.gather [spmem:s2], $0x1, s6, s12, $0xb8;
	[tilespmem:$0x1B680] =	vst v63  }
0x86: {  	_ =	swait.ge [sflag:s31], $0x2710  }
0x87: {  	[sflag:s31] =	ssyncset.done $0x0  }
0x88: {  	[sflag:s31] =	ssyncadd.s32 $0xFFFFD8F0  }
0x89: {  	[spmem:s4] =	stream.indirect.scatter.add.f32 [tilespmem:s13], [sflag:$0x7], $0x1, s6, s12, $0xb8;
	[tilespmem:$0x1B680] =	vst v63  }
0x8a: {  	_ =	swait.ge [sflag:s0], $0x2710  }
0x8b: {  	[sflag:s0] =	ssyncset.done $0x0  }
0x8c: {  	[sflag:s0] =	ssyncadd.s32 $0xFFFFD8F0  }
0x8d: {  	[spmem:s5] =	stream.indirect.scatter.add.f32 [tilespmem:s14], [sflag:$0x9], $0x1, s3, s12, $0xb8;
	[tilespmem:$0x1B680] =	vst v63  }
0x8e: {  	_ =	swait.ge [sflag:s15], $0x2710  }
0x8f: {  	[sflag:s15] =	ssyncset.done $0x0  }
0x90: {  	[sflag:s15] =	ssyncadd.s32 $0xFFFFD8F0  }
0x91: {  	_ =	swait.ge [sflag:s16], $0x2710  }
0x92: {  	[sflag:s16] =	ssyncset.done $0x0  }
0x93: {  	s28 =	rddreg [dreg:$0x10];
	[sflag:s16] =	ssyncadd.s32 $0xFFFFD8F0  }
0x94: {  	[tilespmem:s3], [sflag:$0x1] =	stream.linear.gather [hbm4b:s28+s6], $0x2710, $0x38;
	[tilespmem:$0x1B680] =	vst v63  }
0x95: {  	s29 =	rddreg [dreg:$0x11]  }
0x96: {  	[tilespmem:s6], [sflag:$0x1] =	stream.linear.gather [hbm4b:s29+s6], $0x2710, $0x38;
	[tilespmem:$0x1B680] =	vst v63  }
0x97: {  	_ =	swait.ge [sflag:s17], $0x2710  }
0x98: {  	[sflag:s17] =	ssyncset.done $0x0  }
0x99: {  	[sflag:s17] =	ssyncadd.s32 $0xFFFFD8F0  }
0x9a: {  	_ =	swait.ge [sflag:s17], $0x2710  }
0x9b: {  	[sflag:s17] =	ssyncset.done $0x0  }
0x9c: {  	[sflag:s17] =	ssyncadd.s32 $0xFFFFD8F0  }
0x9d: {  	[tilespmem:s18], [sflag:$0x4] =	stream.indirect.gather [spmem:s10], $0x1, s7, s12, $0xb8;
	[tilespmem:$0x1B680] =	vst v63  }
0x9e: {  	_ = 	snop  }
0x9f: {  	[tilespmem:s19], [sflag:$0x6] =	stream.indirect.gather [spmem:s2], $0x1, s8, s12, $0xb8;
	[tilespmem:$0x1B680] =	vst v63  }
0xa0: {  	_ =	swait.ge [sflag:s20], $0x2710  }
0xa1: {  	[sflag:s20] =	ssyncset.done $0x0  }
0xa2: {  	[sflag:s20] =	ssyncadd.s32 $0xFFFFD8F0  }
0xa3: {  	[spmem:s4] =	stream.indirect.scatter.add.f32 [tilespmem:s18], [sflag:$0x8], $0x1, s8, s12, $0xb8;
	[tilespmem:$0x1B680] =	vst v63  }
0xa4: {  	_ =	swait.ge [sflag:s21], $0x2710  }
0xa5: {  	[sflag:s21] =	ssyncset.done $0x0  }
0xa6: {  	[sflag:s21] =	ssyncadd.s32 $0xFFFFD8F0  }
0xa7: {  	[spmem:s5] =	stream.indirect.scatter.add.f32 [tilespmem:s19], [sflag:$0xA], $0x1, s7, s12, $0xb8;
	[tilespmem:$0x1B680] =	vst v63  }
0xa8: {  	_ =	swait.ge [sflag:s11], $0x2710  }
0xa9: {  	[sflag:s11] =	ssyncset.done $0x0  }
0xaa: {  	[sflag:s11] =	ssyncadd.s32 $0xFFFFD8F0  }
0xab: {  	_ =	swait.ge [sflag:s11], $0x2710  }
0xac: {  	[sflag:s11] =	ssyncset.done $0x0  }
0xad: {  	[sflag:s11] =	ssyncadd.s32 $0xFFFFD8F0  }
0xae: {  	[tilespmem:s13], [sflag:$0x3] =	stream.indirect.gather [spmem:s10], $0x1, s3, s12, $0xb8;
	[tilespmem:$0x1B680] =	vst v63  }
0xaf: {  	_ = 	snop  }
0xb0: {  	[tilespmem:s14], [sflag:$0x5] =	stream.indirect.gather [spmem:s2], $0x1, s6, s12, $0xb8;
	[tilespmem:$0x1B680] =	vst v63  }
0xb1: {  	_ =	swait.ge [sflag:s31], $0x2710  }
0xb2: {  	[sflag:s31] =	ssyncset.done $0x0  }
0xb3: {  	[sflag:s31] =	ssyncadd.s32 $0xFFFFD8F0  }
0xb4: {  	[spmem:s4] =	stream.indirect.scatter.add.f32 [tilespmem:s13], [sflag:$0x7], $0x1, s6, s12, $0xb8;
	[tilespmem:$0x1B680] =	vst v63  }
0xb5: {  	_ =	swait.ge [sflag:s0], $0x2710  }
0xb6: {  	[sflag:s0] =	ssyncset.done $0x0  }
0xb7: {  	[sflag:s0] =	ssyncadd.s32 $0xFFFFD8F0  }
0xb8: {  	[spmem:s5] =	stream.indirect.scatter.add.f32 [tilespmem:s14], [sflag:$0x9], $0x1, s3, s12, $0xb8;
	[tilespmem:$0x1B680] =	vst v63  }
0xb9: {  	_ =	swait.ge [sflag:s15], $0x2710  }
0xba: {  	[sflag:s15] =	ssyncset.done $0x0  }
0xbb: {  	[sflag:s15] =	ssyncadd.s32 $0xFFFFD8F0  }
0xbc: {  	_ =	swait.ge [sflag:s22], $0x2710  }
0xbd: {  	[sflag:s22] =	ssyncset.done $0x0  }
0xbe: {  	[sflag:s22] =	ssyncadd.s32 $0xFFFFD8F0  }
0xbf: {  	_ =	swait.ge [sflag:s16], $0x2710  }
0xc0: {  	[sflag:s16] =	ssyncset.done $0x0  }
0xc1: {  	[sflag:s16] =	ssyncadd.s32 $0xFFFFD8F0  }
0xc2: {  	_ =	swait.ge [sflag:s23], $0x2710  }
0xc3: {  	[sflag:s23] =	ssyncset.done $0x0  }
0xc4: {  	[sflag:s23] =	ssyncadd.s32 $0xFFFFD8F0  }
0xc5: {  	s24 =	sor.u32 $0x1C0B, s26;
	s28 =	sshrl.u32 s9, $0x3;
	[bflag:$0x0] =	sbarrier.arrive $0xFFFF  }
0xc6: {  	s9 =	simm.s32 $0x20;
	s10 =	simm.s32 $0x10;
	s29 =	rddreg [dreg:$0x12]  }
0xc7: {  	[hbm:s29@s9], [sflag:s24] =	dma.strided [spmem:s28@s10], $0x310, s11, $0x10   }
0xc8: {  	_ =	swait.ge [sflag:s30], $0x310  }
0xc9: {  	[sflag:s30] =	ssyncset.done $0x0  }
0xca: {  	s28 =	sshrl.u32 s1, $0x3;
	s1 =	rddreg [dreg:$0x13];
	[sflag:s30] =	ssyncadd.s32 $0xFFFFFCF0  }
0xcb: {  	[hbm:s1@s9], [sflag:s24] =	dma.strided [spmem:s28@s10], $0x310, s11, $0x10   }
0xcc: {  	_ =	swait.ge [sflag:s30], $0x310  }
0xcd: {  	s25 =	sadd.s32 $0x1, s25;
	s29 =	rddreg [dreg:$0x14]  }
0xce: {  	p0 =	sne.s32 s25, s29  }
.Ltmp1:
0xcf: {  	_ = 	snop;
	(pc) =	sbr.rel @p0 .LBB2_1-.Ltmp1, $3  }
0xd0: {  	_ =	sdelay $0x1  }
0xd1: {  	[sflag:s30] =	ssyncset.done $0x0  }
0xd2: {  	[sflag:s30] =	ssyncadd.s32 $0xFFFFFCF0  }
0xd3: {  	_ =	sfence.sel $0x180000  }
0xd4: {  	[bflag:$0x0] =	sbarrier.arrive $0xFFFF  }
0xd5: {  	_ =	strace $0x9000004A  }
0xd6: {  	s0 =	stileid.u32;
	[bflag:$0x2] =	sbarrier.arrive $0xFFFF  }
0xd7: {  	p0 =	sne.s32 s0, $0x0;
	s0 =	rddreg [dreg:$0x5]  }
0xd8: {  	s0 =	sadd.s32 @!p0 $0x100000, s0  }
0xd9: {  	[sflag:s0] =	ssyncadd.tile.s32 @!p0 $0x1;
	_ =	shalt  }
.Lfunc_end2:
_tile_overlayer_lowered:
.L_overlay_start_2:
0xda: {  	(tag) =	ssettag $0x2  }
0xdb: {  	s0 =	rddreg [dreg:$0x0];
	s2 =	stileid.u32  }
0xdc: {  	s1 =	rddreg [dreg:$0x1];
	p0 =	sne.s32 s2, $0x0  }
0xdd: {  	s3 =	rddreg [dreg:$0x2];
	[bflag:$0x3] =	sbarrier.arrive $0xFFFF;
	s2 =	simm.s32 @!p0 $0x1C0B  }
0xde: {  	[timem:s3], [sflag:s2] =	dma.local @!p0 [hbm:s0], s1  }
0xdf: {  	s0 =	simm.s32 @!p0 $0xB  }
0xe0: {  	_ =	swait.ge @!p0 [sflag:s0], s1  }
0xe1: {  	s1 =	ssub.s32 @!p0 $0x0, s1;
	[sflag:s0] =	ssyncset.done @!p0 $0x0  }
0xe2: {  	[sflag:s0] =	ssyncadd.s32 @!p0 s1  }
0xe3: {  	[bflag:$0x3] =	sbarrier.arrive $0xFFFF  }
0xe4: {  	_ =	shalt  }

// kernel: kernel.7.cloned.1.call-start
scs
__scs_entry_jumppad:
0x0: {  	(pc) =	sbr.rel $0x88, $3  }
0x1: {  	(tag) =	ssettag $0x0;
	lr =	simm.s32 $0x1  }
0x2: {  	[smem:$0x3F9B] =	sst lr;
	_ =	strace $0xD0000000  }
0x3: {  	_ = 	snop  }
0x4: {  	_ = 	snop  }
0x5: {  	_ = 	snop  }
0x6: {  	_ = 	snop  }
0x7: {  	_ = 	snop  }
__scs_overlays_trampoline_lowered:
0x8: {  	[smem:$0x3FAA] =	sst s0  }
0x9: {  	[smem:$0x3FAB] =	sst s1  }
0xa: {  	[smem:$0x3FAC] =	sst s2  }
0xb: {  	[smem:$0x3FAD] =	sst s3  }
0xc: {  	[smem:$0x3FAE] =	sst s4  }
0xd: {  	[smem:$0x3FAF] =	sst s5  }
0xe: {  	[smem:$0x3FB0] =	sst s6  }
0xf: {  	[smem:$0x3FB1] =	sst s7  }
0x10: {  	[smem:$0x3FB2] =	sst s8  }
0x11: {  	[smem:$0x3FB3] =	sst s9;
	s0 =	simm.s32 @!p0 $0x0  }
0x12: {  	s1 =	sld [smem:$0x3F99];
	s0 =	simm.s32 @p0 $0x1  }
0x13: {  	[smem:$0x3FB4] =	sst s0;
	s0 =	simm.s32 @!p1 $0x0  }
0x14: {  	s2 =	sld [smem:$0x3F98];
	s0 =	simm.s32 @p1 $0x1  }
0x15: {  	[smem:$0x3FB5] =	sst s0;
	s0 =	simm.s32 @!p2 $0x0  }
0x16: {  	s3 =	sld [smem:$0x3FDB];
	s0 =	simm.s32 @p2 $0x1  }
0x17: {  	s4 =	simm.s32 $0x1BF5;
	[smem:$0x3FB7] =	sst s0  }
0x18: {  	s0 =	sld [smem:$0x3F9A];
	_ =	swait.ge [sflag:s4], $0x0  }
0x19: {  	s7 =	sld [smem:$0x3F9B]  }
0x1a: {  	s8 =	sadd.s32 $0xFFFFE003, lr  }
0x1b: {  	s9 =	sadd.s32 $0xFFFFFEF7, lr;
	s5 =	simm.s32 $0xFFFFFFFF;
	p2 =	slt.u32 s8, $0xFFFFF086  }
0x1c: {  	p1 =	slt.u32 s9, $0xF7A;
	s5 =	simm.s32 @!p2 $0x0  }
0x1d: {  	s5 =	simm.s32 @p1 $0x1;
	p0 =	seq.s32 s7, s2  }
0x1e: {  	s7 =	smul.u32 @!p0 $0xF7A, s2;
	p2 =	seq.s32 @!p0 s5, $0x0  }
0x1f: {  	s9 =	smul.u32 $0xF7A, s1;
	s8 =	simm.s32 @!p0 $0x1BF5;
	p2 =	por !p2, p0  }
0x20: {  	[sflag:s8] =	ssyncset.s32 @!p0 $0xFFFFF086;
	s6 =	sadd.s32 @!p0 s3, s7;
	s7 =	simm.s32 @!p0 $0x108  }
0x21: {  	s3 =	sadd.s32 s3, s9;
	s6 =	sadd.s32 @!p0 $0x88, s6;
	s7 =	simm.s32 @p2 $0x1082  }
0x22: {  	[simem:s7], [sflag:s8] =	dma.local @!p0 [hbm:s6], $0xF7A  }
0x23: {  	s9 =	sor.u32 $0xD0000000, s2;
	s6 =	simm.s32 $0x108;
	_ =	swait.ge @!p0 [sflag:s8], $0x0  }
0x24: {  	s3 =	sadd.s32 $0x88, s3;
	s6 =	simm.s32 @!p1 $0x1082;
	[sflag:s4] =	ssyncset.s32 $0xFFFFF086  }
0x25: {  	[simem:s6], [sflag:s4] =	dma.local [hbm:s3], $0xF7A  }
0x26: {  	[smem:$0x3F9B] =	sst s1;
	(tag) =	ssettag s2;
	_ =	strace s9  }
0x27: {  	s1 =	sld [smem:$0x3FAB]  }
0x28: {  	s2 =	sld [smem:$0x3FAC]  }
0x29: {  	s4 =	sld [smem:$0x3FAE]  }
0x2a: {  	p0 =	seq.s32 s5, $0x0;
	s5 =	sld [smem:$0x3FAF]  }
0x2b: {  	s6 =	sld [smem:$0x3FB0]  }
0x2c: {  	s7 =	sld [smem:$0x3FB1]  }
0x2d: {  	s3 =	simm.s32 $0x108;
	s8 =	sld [smem:$0x3FB2]  }
0x2e: {  	s3 =	simm.s32 @!p0 $0x1082;
	s9 =	sld [smem:$0x3FB3]  }
0x2f: {  	lr =	sadd.s32 s0, s3;
	s0 =	sld [smem:$0x3FAA]  }
0x30: {  	s3 =	sld [smem:$0x3FAD]  }
0x31: {  	[smem:$0x3FB6] =	sst s10  }
0x32: {  	s10 =	sld [smem:$0x3FB4];
	_ =	sdelay $0x3  }
0x33: {  	p0 =	seq.s32 s10, $0x1;
	s10 =	sld [smem:$0x3FB6];
	_ =	sdelay $0x3  }
0x34: {  	[smem:$0x3FB6] =	sst s10  }
0x35: {  	s10 =	sld [smem:$0x3FB5];
	_ =	sdelay $0x3  }
0x36: {  	p1 =	seq.s32 s10, $0x1;
	s10 =	sld [smem:$0x3FB6];
	_ =	sdelay $0x3  }
0x37: {  	[smem:$0x3FB6] =	sst s10  }
0x38: {  	s10 =	sld [smem:$0x3FB7]  }
0x39: {  	_ = 	snop;
	(pc) =	sbr.ind lr, $3  }
0x3a: {  	_ = 	snop  }
0x3b: {  	_ = 	snop  }
0x3c: {  	p2 =	seq.s32 s10, $0x1;
	s10 =	sld [smem:$0x3FB6]  }
0x3d: {  	_ =	shalt  }
0x3e: {  	_ =	shalt  }
0x3f: {  	_ =	shalt  }
0x40: {  	_ =	shalt  }
0x41: {  	_ =	shalt  }
0x42: {  	_ =	shalt  }
0x43: {  	_ =	shalt  }
0x44: {  	_ =	shalt  }
0x45: {  	_ =	shalt  }
0x46: {  	_ =	shalt  }
0x47: {  	_ =	shalt  }
0x48: {  	_ =	shalt  }
0x49: {  	_ =	shalt  }
0x4a: {  	_ =	shalt  }
0x4b: {  	_ =	shalt  }
0x4c: {  	_ =	shalt  }
0x4d: {  	_ =	shalt  }
0x4e: {  	_ =	shalt  }
0x4f: {  	_ =	shalt  }
0x50: {  	_ =	shalt  }
0x51: {  	_ =	shalt  }
0x52: {  	_ =	shalt  }
0x53: {  	_ =	shalt  }
0x54: {  	_ =	shalt  }
0x55: {  	_ =	shalt  }
0x56: {  	_ =	shalt  }
0x57: {  	_ =	shalt  }
0x58: {  	_ =	shalt  }
0x59: {  	_ =	shalt  }
0x5a: {  	_ =	shalt  }
0x5b: {  	_ =	shalt  }
0x5c: {  	_ =	shalt  }
0x5d: {  	_ =	shalt  }
0x5e: {  	_ =	shalt  }
0x5f: {  	_ =	shalt  }
0x60: {  	_ =	shalt  }
0x61: {  	_ =	shalt  }
0x62: {  	_ =	shalt  }
0x63: {  	_ =	shalt  }
0x64: {  	_ =	shalt  }
0x65: {  	_ =	shalt  }
0x66: {  	_ =	shalt  }
0x67: {  	_ =	shalt  }
0x68: {  	_ =	shalt  }
0x69: {  	_ =	shalt  }
0x6a: {  	_ =	shalt  }
0x6b: {  	_ =	shalt  }
0x6c: {  	_ =	shalt  }
0x6d: {  	_ =	shalt  }
0x6e: {  	_ =	shalt  }
0x6f: {  	_ =	shalt  }
0x70: {  	_ =	shalt  }
0x71: {  	_ =	shalt  }
0x72: {  	_ =	shalt  }
0x73: {  	_ =	shalt  }
0x74: {  	_ =	shalt  }
0x75: {  	_ =	shalt  }
0x76: {  	_ =	shalt  }
0x77: {  	_ =	shalt  }
0x78: {  	_ =	shalt  }
0x79: {  	_ =	shalt  }
0x7a: {  	_ =	shalt  }
0x7b: {  	_ =	shalt  }
0x7c: {  	_ =	shalt  }
0x7d: {  	_ =	shalt  }
0x7e: {  	_ =	shalt  }
0x7f: {  	_ =	shalt  }
0x80: {  	_ =	shalt  }
0x81: {  	_ =	shalt  }
0x82: {  	_ =	shalt  }
0x83: {  	_ =	shalt  }
0x84: {  	_ =	shalt  }
0x85: {  	_ =	shalt  }
0x86: {  	_ =	shalt  }
0x87: {  	_ =	shalt  }
.Lfunc_end0:
.L_simem_size_0:
called_computation_lowered:
.L_overlay_start_0:
0x88: {  	s2 =	sld [smem:$0x3FD9]  }
0x89: {  	s3 =	sld [smem:$0x3FFE];
	_ =	sdelay $0x1  }
0x8a: {  	s1 =	srdreg.scid  }
0x8b: {  	s0 =	sand.u32 $0x1, s1  }
0x8c: {  	s16 =	sshll.u32 s0, $0xA;
	s2 =	sadd.s32 s3, s2  }
0x8d: {  	s2 =	sadd.s32 s2, s16  }
0x8e: {  	[smem:$0x3FC2] =	sst s2  }
0x8f: {  	_ = 	snop  }
0x90: {  	(tm) =	ssettm $0x1  }
0x91: {  	s17 =	sld [smem:$0x3FFB];
	_ =	sdelay $0x3  }
0x92: {  	_ =	strace s17  }
0x93: {  	s2 =	sld [smem:$0x3FFC];
	_ =	sdelay $0x3  }
0x94: {  	_ =	strace s2  }
0x95: {  	s2 =	sld [smem:$0x3FFD];
	_ =	sdelay $0x3  }
0x96: {  	_ =	strace s2  }
0x97: {  	_ =	strace $0x8FFFFFFF  }
0x98: {  	s18 =	sld [smem:$0x3FDB];
	_ =	sdelay $0x1  }
0x99: {  	s19 =	simm.s32 $_scs_section_size  }
0x9a: {  	s4 =	simm.s32 $_size__tile_overlayer_lowered;
	s5 =	simm.s32 $_tile_overlayer_lowered  }
0x9b: {  	s22 =	simm.s32 $0x1BFF;
	s21 =	sshll.u32 s5, $0x1;
	s2 =	sadd.s32 s19, s18  }
0x9c: {  	s6 =	simm.s32 $0x0;
	s20 =	sshll.u32 s4, $0x1;
	s4 =	sadd.s32 s21, s2  }
0x9d: {  	[timem:s6], [sflag:s22] =	dma.local [hbm:s4], s20  }
0x9e: {  	_ =	swait.ge [sflag:s22], s20  }
0x9f: {  	s3 =	ssub.s32 $0x0, s20;
	[sflag:s22] =	ssyncset.done $0x0  }
0xa0: {  	[sflag:s22] =	ssyncadd.s32 s3;
	_ =	sdelay $0x1  }
0xa1: {  	s23 =	simm.s32 $0x1B8B  }
0xa2: {  	_ =	swait.ge [sflag:s23], $0x1  }
0xa3: {  	[sflag:s23] =	ssyncset.done $0x0  }
0xa4: {  	s25 =	simm.s32 $0x1B8E;
	s24 =	sld [smem:$0x3FFE];
	[sflag:s23] =	ssyncadd.s32 $0xFFFFFFFF  }
0xa5: {  	s26 =	simm.s32 $execute0_lowered;
	[smem:$0x3FD2] =	sst s25  }
0xa6: {  	s4 =	sshll.u32 s26, $0x1;
	_ =	strace $0x80000046;
	[dreg:$0x1] =	wrdreg $0xFFFFFFFF  }
0xa7: {  	s28 =	simm.s32 $_size_execute0_lowered;
	s2 =	sadd.s32 s2, s4;
	[dreg:$0x0] =	wrdreg $0x0  }
0xa8: {  	s4 =	sshll.u32 s28, $0x1;
	[dreg:$0x2] =	wrdreg s2  }
0xa9: {  	[dreg:$0x3] =	wrdreg s4  }
0xaa: {  	[dreg:$0x4] =	wrdreg $0xC0  }
0xab: {  	_ =	task [dreg:s6], $0x5FFFF  }
0xac: {  	[dreg:$0x1] =	wrdreg $0xFFFFFFFF  }
0xad: {  	[dreg:$0x0] =	wrdreg $0x60  }
0xae: {  	[dreg:$0x2] =	wrdreg s24  }
0xaf: {  	[dreg:$0x3] =	wrdreg $0x8F000  }
0xb0: {  	[dreg:$0x4] =	wrdreg $0x9  }
0xb1: {  	_ =	task.clear_ibuf [dreg:s6], $0x5FFFF;
	_ =	strace $0x90000046  }
0xb2: {  	s29 =	simm.s32 $0x9;
	_ =	strace $0x80000048  }
0xb3: {  	_ =	swait.ge [sflag:s29], $0x1  }
0xb4: {  	[sflag:s29] =	ssyncadd.s32 $0xFFFFFFFF  }
0xb5: {  	_ =	strace $0x90000048  }
0xb6: {  	_ =	sfence  }
0xb7: {  	s30 =	sld [smem:$0x0];
	_ =	sdelay $0x2  }
0xb8: {  	s31 =	sshll.u32 s1, $0xD;
	s1 =	sshrl.u32 s1, $0x2  }
0xb9: {  	s3 =	sand.u32 $0x4000, s31;
	s1 =	sadd.s32 s1, s30  }
0xba: {  	s0 =	sor.u32 s3, s0;
	s1 =	sshll.u32 s1, $0x11  }
0xbb: {  	s0 =	sor.u32 s1, s0  }
0xbc: {  	s0 =	sadd.s32 $0x8F2B, s0  }
0xbd: {  	[sflag:s0] =	ssyncadd.remote.s32 $0x1  }
0xbe: {  	_ =	sfence.sel $0xFFFF  }
0xbf: {  	[dreg:$0x0] =	wrdreg $0xFFFFFFFF;
	(pc) =	sbr.abs _section_cstart, $3  }
0xc0: {  	[dreg:$0x1] =	wrdreg $0xFFFFFFFF  }
0xc1: {  	_ =	task.clear_ibuf [dreg:s6], $0x2FFFF;
	_ =	strace $0x9FFFFFFF  }
0xc2: {  	(tm) =	ssettm $0x7FFFFFFF  }
0xc3: {  	_ =	shalt  }
tec
execute0_lowered:
.L_overlay_start_1:
0x0: {  	(tag) =	ssettag $0x1  }
0x1: {  	s0 =	srdreg.scid;
	s5 =	rddreg [dreg:$0x0]  }
0x2: {  	s2 =	rddreg [dreg:$0x1];
	s3 =	simm.s32 $0x0;
	s12 =	simm.s32 $0x7680  }
0x3: {  	s13 =	simm.s32 $0x5;
	s14 =	simm.s32 $0x2780;
	s15 =	simm.s32 $0x1  }
0x4: {  	s16 =	simm.s32 $0x2710;
	s17 =	simm.s32 $0x4F00;
	s18 =	simm.s32 $0x3  }
0x5: {  	s19 =	simm.s32 $0x2;
	s20 =	simm.s32 $0x4;
	s21 =	simm.s32 $0x20  }
0x6: {  	s22 =	simm.s32 $0x10;
	s4 =	sand.u32 $0x1, s0;
	s0 =	stileid.u32  }
0x7: {  	s23 =	simm.s32 $0x0;
	[smem:$0x7FF] =	sst s3;
	s7 =	smul.u32 $0x3100, s0  }
0x8: {  	s1 =	sshll.u32 s4, $0x4;
	s8 =	sshll.u32 s4, $0x7;
	s28 =	smul.u32 $0x6200, s0  }
0x9: {  	s4 =	ssub.s32 $0x2, s4;
	s6 =	sor.u32 s0, s1;
	s1 =	rddreg [dreg:$0x2]  }
0xa: {  	_ =	strace $0x80000047;
	s30 =	sshrl.u32 s4, $0x1;
	s6 =	smul.u32 $0xC350, s6  }
0xb: {  	s7 =	sor.u32 s8, s7;
	s31 =	sshrl.u32 s28, $0x2;
	s11 =	ssub.s32 s4, s30  }
0xc: {  	s29 =	sshrl.u32 s7, $0x3;
	s11 =	smax.u32 s11, $0x1;
	s6 =	sshrl.u32 s6, $0x3  }
0xd: {  	s10 =	sadd.s32 s29, s5;
	s9 =	sadd.s32 s6, s5;
	s5 =	sadd.s32 s31, s2  }
0xe: {  	s10 =	sadd.s32 $0x64000, s10;
	s4 =	sadd.s32 $0x2400, s9;
	s6 =	sadd.s32 $0x28E2, s9  }
0xf: {  	v0 =	vimm.f32 $1.000000000e+00;
	v1 =	vimm.f32 $0.0e+00;
	s7 =	sadd.s32 $0x2DC4, s9;
	s8 =	sadd.s32 $0x32A6, s9;
	s9 =	sadd.s32 $0x3788, s9  }
.LBB2_1:
0x10: {  	[tilespmem:s3], [sflag:$0x1] =	stream.linear.gather [hbm4b:s4+s3], $0x2710, $0x38;
	[tilespmem:$0xA780] =	vst v63  }
0x11: {  	s24 =	simm.s32 $0x0  }
.LBB2_2:
0x12: {  	p0 =	sne.s32 s24, $0x9C00  }
.Ltmp0:
0x13: {  	_ = 	snop;
	(pc) =	sbr.rel @p0 .LBB2_2-.Ltmp0, $3  }
0x14: {  	_ =	sdelay $0x1  }
0x15: {  	s25 =	sshra.s32 s24, $0x2  }
0x16: {  	s24 =	sadd.s32 $0x40, s24;
	[tilespmem:s25+$0x4F00] =	vst v0  }
0x17: {  	s24 =	simm.s32 $0x40;
	s25 =	simm.s32 $0x0  }
.LBB2_4:
0x18: {  	p0 =	sne.s32 s24, $0x61C0;
	[tilespmem:s25+$0x7680] =	vst v1;
	s25 =	smov.u32 s24;
	s24 =	sadd.s32 $0x40, s24  }
.Ltmp1:
0x19: {  	(pc) =	sbr.rel @p0 .LBB2_4-.Ltmp1, $2  }
0x1a: {  	_ =	sdelay $0x2  }
0x1b: {  	s25 =	sshra.s32 s25, $0x2  }
0x1c: {  	[tilespmem:s25+$0x7680] =	vst v1  }
0x1d: {  	[spmem:s5] =	stream.linear.scatter [tilespmem:s12], [sflag:$0x5], $0x1880, $0x38;
	[tilespmem:$0xA780] =	vst v63  }
0x1e: {  	_ =	swait.ge [sflag:s13], $0x1880  }
0x1f: {  	[sflag:s13] =	ssyncset.done $0x0  }
0x20: {  	[sflag:s13] =	ssyncadd.s32 $0xFFFFE780  }
0x21: {  	[bflag:$0x0] =	sbarrier.arrive $0xFFFF  }
0x22: {  	[tilespmem:s14], [sflag:$0x2] =	stream.linear.gather [hbm4b:s6+s3], $0x2710, $0x38;
	[tilespmem:$0xA780] =	vst v63  }
0x23: {  	_ =	swait.ge [sflag:s15], $0x2710  }
0x24: {  	[sflag:s15] =	ssyncset.done $0x0  }
0x25: {  	[sflag:s15] =	ssyncadd.s32 $0xFFFFD8F0  }
0x26: {  	[spmem:s2] =	stream.indirect.scatter.add.f32 [tilespmem:s17], [sflag:$0x3], $0x1, s3, s16, $0xb8;
	[tilespmem:$0xA780] =	vst v63  }
0x27: {  	_ =	swait.ge [sflag:s18], $0x2710  }
0x28: {  	[sflag:s18] =	ssyncset.done $0x0  }
0x29: {  	[sflag:s18] =	ssyncadd.s32 $0xFFFFD8F0  }
0x2a: {  	[tilespmem:s3], [sflag:$0x1] =	stream.linear.gather [hbm4b:s7+s3], $0x2710, $0x38;
	[tilespmem:$0xA780] =	vst v63  }
0x2b: {  	_ =	swait.ge [sflag:s19], $0x2710  }
0x2c: {  	[sflag:s19] =	ssyncset.done $0x0  }
0x2d: {  	[sflag:s19] =	ssyncadd.s32 $0xFFFFD8F0  }
0x2e: {  	[spmem:s2] =	stream.indirect.scatter.add.f32 [tilespmem:s17], [sflag:$0x4], $0x1, s14, s16, $0xb8;
	[tilespmem:$0xA780] =	vst v63  }
0x2f: {  	_ =	swait.ge [sflag:s20], $0x2710  }
0x30: {  	[sflag:s20] =	ssyncset.done $0x0  }
0x31: {  	[sflag:s20] =	ssyncadd.s32 $0xFFFFD8F0  }
0x32: {  	[tilespmem:s14], [sflag:$0x2] =	stream.linear.gather [hbm4b:s8+s3], $0x2710, $0x38;
	[tilespmem:$0xA780] =	vst v63  }
0x33: {  	_ =	swait.ge [sflag:s15], $0x2710  }
0x34: {  	[sflag:s15] =	ssyncset.done $0x0  }
0x35: {  	[sflag:s15] =	ssyncadd.s32 $0xFFFFD8F0  }
0x36: {  	[spmem:s2] =	stream.indirect.scatter.add.f32 [tilespmem:s17], [sflag:$0x3], $0x1, s3, s16, $0xb8;
	[tilespmem:$0xA780] =	vst v63  }
0x37: {  	_ =	swait.ge [sflag:s18], $0x2710  }
0x38: {  	[sflag:s18] =	ssyncset.done $0x0  }
0x39: {  	[sflag:s18] =	ssyncadd.s32 $0xFFFFD8F0  }
0x3a: {  	[tilespmem:s3], [sflag:$0x1] =	stream.linear.gather [hbm4b:s9+s3], $0x2710, $0x38;
	[tilespmem:$0xA780] =	vst v63  }
0x3b: {  	_ =	swait.ge [sflag:s19], $0x2710  }
0x3c: {  	[sflag:s19] =	ssyncset.done $0x0  }
0x3d: {  	[sflag:s19] =	ssyncadd.s32 $0xFFFFD8F0  }
0x3e: {  	[spmem:s2] =	stream.indirect.scatter.add.f32 [tilespmem:s17], [sflag:$0x4], $0x1, s14, s16, $0xb8;
	[tilespmem:$0xA780] =	vst v63  }
0x3f: {  	_ =	swait.ge [sflag:s15], $0x2710  }
0x40: {  	[sflag:s15] =	ssyncset.done $0x0  }
0x41: {  	[sflag:s15] =	ssyncadd.s32 $0xFFFFD8F0  }
0x42: {  	[spmem:s2] =	stream.indirect.scatter.add.f32 [tilespmem:s17], [sflag:$0x3], $0x1, s3, s16, $0xb8;
	[tilespmem:$0xA780] =	vst v63  }
0x43: {  	_ =	swait.ge [sflag:s18], $0x2710  }
0x44: {  	[sflag:s18] =	ssyncset.done $0x0  }
0x45: {  	[sflag:s18] =	ssyncadd.s32 $0xFFFFD8F0  }
0x46: {  	_ =	swait.ge [sflag:s20], $0x2710  }
0x47: {  	s24 =	sshll.u32 s0, $0x6;
	s23 =	sadd.s32 $0x1, s23;
	[sflag:s20] =	ssyncset.done $0x0  }
0x48: {  	s31 =	sshrl.u32 s5, $0x3;
	p0 =	sne.s32 s23, s11;
	[sflag:s20] =	ssyncadd.s32 $0xFFFFD8F0  }
.Ltmp2:
0x49: {  	s24 =	sor.u32 $0x1C05, s24;
	[bflag:$0x0] =	sbarrier.arrive $0xFFFF;
	(pc) =	sbr.rel @p0 .LBB2_1-.Ltmp2, $4  }
0x4a: {  	[hbm:s10@s21], [sflag:s24] =	dma.strided [spmem:s31@s22], $0x310, s15, $0x10   }
0x4b: {  	_ =	swait.ge [sflag:s13], $0x310  }
0x4c: {  	[sflag:s13] =	ssyncset.done $0x0  }
0x4d: {  	[sflag:s13] =	ssyncadd.s32 $0xFFFFFCF0  }
0x4e: {  	_ =	sfence.sel $0x180000  }
0x4f: {  	[bflag:$0x0] =	sbarrier.arrive $0xFFFF  }
0x50: {  	p0 =	sne.s32 s0, $0x0;
	_ =	strace $0x90000047  }
0x51: {  	s0 =	sadd.s32 @!p0 $0x100000, s1;
	[bflag:$0x2] =	sbarrier.arrive $0xFFFF  }
0x52: {  	[sflag:s0] =	ssyncadd.tile.s32 @!p0 $0x1;
	_ =	shalt  }
.Lfunc_end2:
_tile_overlayer_lowered:
.L_overlay_start_2:
0x53: {  	(tag) =	ssettag $0x2  }
0x54: {  	s0 =	rddreg [dreg:$0x0];
	s2 =	stileid.u32  }
0x55: {  	s1 =	rddreg [dreg:$0x1];
	p0 =	sne.s32 s2, $0x0  }
0x56: {  	s3 =	rddreg [dreg:$0x2];
	[bflag:$0x3] =	sbarrier.arrive $0xFFFF;
	s2 =	simm.s32 @!p0 $0x1C05  }
0x57: {  	[timem:s3], [sflag:s2] =	dma.local @!p0 [hbm:s0], s1  }
0x58: {  	s0 =	simm.s32 @!p0 $0x5  }
0x59: {  	_ =	swait.ge @!p0 [sflag:s0], s1  }
0x5a: {  	s1 =	ssub.s32 @!p0 $0x0, s1;
	[sflag:s0] =	ssyncset.done @!p0 $0x0  }
0x5b: {  	[sflag:s0] =	ssyncadd.s32 @!p0 s1  }
0x5c: {  	[bflag:$0x3] =	sbarrier.arrive $0xFFFF  }
0x5d: {  	_ =	shalt  }

</sc_bundles>
